<compile_context>
chip_gen: v7x
topology: tpu7x:2x2x1
jax: 0.10.2.dev20260603
libtpu: 0.0.44.dev20260713+nightly
codegen_flags: <defaults>
</compile_context>

<pallas_src>
import functools

import jax
import jax.numpy as jnp
from jax import lax
from jax.experimental import pallas as pl
from jax.experimental.pallas import tpu as pltpu
from jax.experimental.pallas import tpu_sc as plsc

_D = 2048
_B = 4 * 8192
_NC = 2
_NS = 16
_NW = _NC * _NS
_BPW = _B // _NW
_C = 8
_NBUF = 6
_P = 3
_NCHUNK = _BPW // _C


def _embed_body(idx_hbm, table_hbm, out_hbm, idx_v, rows_v, gsem, ssem):
    wid = lax.axis_index("s") * _NC + lax.axis_index("c")
    base = wid * _BPW
    pltpu.sync_copy(idx_hbm.at[pl.ds(base, _BPW)], idx_v)

    def gather(c, b):
        pltpu.async_copy(
            table_hbm.at[idx_v.at[pl.ds(c * _C, _C)]], rows_v.at[b], gsem
        )

    def gwait(b):
        pltpu.make_async_copy(
            table_hbm.at[idx_v.at[pl.ds(0, _C)]], rows_v.at[b], gsem
        ).wait()

    def scatter(c, b):
        pltpu.async_copy(
            rows_v.at[b], out_hbm.at[pl.ds(base + c * _C, _C)], ssem
        )

    def swait(b):
        pltpu.make_async_copy(
            rows_v.at[b], out_hbm.at[pl.ds(base, _C)], ssem
        ).wait()

    for c in range(_P):
        gather(c, c)

    n_outer = (_NCHUNK + _P + _NBUF - 1) // _NBUF

    def step(i, carry):
        c0 = i * _NBUF
        for b in range(_NBUF):
            c = c0 + b

            @pl.when(jnp.logical_and(c >= _P, c < _NCHUNK + _P))
            def _():
                swait((c - _P) % _NBUF)

            @pl.when(c + _P < _NCHUNK)
            def _():
                gather(c + _P, (c + _P) % _NBUF)

            @pl.when(c < _NCHUNK)
            def _():
                gwait(b)
                scatter(c, b)
        return carry

    lax.fori_loop(0, n_outer, step, 0)


@functools.partial(
    pl.kernel,
    mesh=plsc.VectorSubcoreMesh(core_axis_name="c", subcore_axis_name="s"),
    out_type=jax.ShapeDtypeStruct((_B, _D), jnp.float32),
    scratch_types=[
        pltpu.VMEM((_BPW,), jnp.int32),
        pltpu.VMEM((_NBUF, _C, _D), jnp.float32),
        pltpu.SemaphoreType.DMA,
        pltpu.SemaphoreType.DMA,
    ],
)
def _embed(idx_hbm, table_hbm, out_hbm, idx_v, rows_v, gsem, ssem):
    _embed_body(idx_hbm, table_hbm, out_hbm, idx_v, rows_v, gsem, ssem)


def kernel(input_ids, embed_table):
    ids = input_ids.reshape(-1).astype(jnp.int32)
    out = _embed(ids, embed_table)
    return out.reshape(input_ids.shape + (embed_table.shape[1],))

# --- scband reference (transcript-rebuilt; emitter-appended) ---
"""Pipeline reference for scband-llm-embed-52063593562573 (READ-ONLY COPY).

The authoritative reference and input builder live on the scoring server;
editing this copy changes nothing except your own understanding.
"""

import jax, jax.numpy as jnp
import numpy as np

VOCAB = 151936
D_MODEL = 2048
BATCH = 4
SEQ = 8192

def setup_inputs(seed: int = 0) -> dict:
    key = jax.random.key(seed)
    k_ids, k_tab = jax.random.split(key)
    input_ids = jax.random.randint(k_ids, (BATCH, SEQ), 0, VOCAB, dtype=jnp.int64)
    embed_table = jax.random.normal(k_tab, (VOCAB, D_MODEL), dtype=jnp.float32) * 0.02
    return {"input_ids": input_ids, "embed_table": embed_table}

def reference(input_ids, embed_table):
    # Faithful translation of llm.model.language_model.embed_tokens(input_ids):
    # a plain row-gather from the token embedding table.
    return jnp.take(embed_table, input_ids, axis=0)

if __name__ == "__main__":
    import jax
    _d = setup_inputs()
    print(jax.jit(kernel)(*tuple(_d.values())))

</pallas_src>

<mosaic_0001>
#map = affine_map<(d0, d1) -> (0)>
#map1 = affine_map<(d0, d1) -> (0, 0)>
module attributes {stable_mosaic.version = 14 : i64} {
  func.func @_embed(%arg0: i32, %arg1: i32, %arg2: memref<32768xi32, #tpu.memory_space<hbm>>, %arg3: memref<151936x2048xf32, #tpu.memory_space<hbm>>, %arg4: memref<32768x2048xf32, #tpu.memory_space<hbm>>, %arg5: memref<1024xi32, #tpu.memory_space<vmem>>, %arg6: memref<6x8x2048xf32, #tpu.memory_space<vmem>>, %arg7: memref<!tpu.dma_semaphore, #tpu.memory_space<semaphore_mem>>, %arg8: memref<!tpu.dma_semaphore, #tpu.memory_space<semaphore_mem>>) attributes {dimension_semantics = [#tpu.dimension_semantics<core_parallel>, #tpu.dimension_semantics<subcore_parallel>], iteration_bounds = array<i64: 2, 16>, scalar_prefetch = 0 : i64, scratch_operands = 4 : i64, tpu.core_type = #tpu.core_type<sc_vector_subcore>, window_params = [{transform_indices = #map}, {transform_indices = #map1}, {transform_indices = #map1}]} {
    %mul3A = arith.constant 2 : i32
    %mul3A_0 = arith.muli %arg1, %mul3A : i32
    %add3A = arith.addi %mul3A_0, %arg0 : i32
    %mul3A_1 = arith.constant 1024 : i32
    %mul3A_2 = arith.muli %add3A, %mul3A_1 : i32
    "tpu.region"() ({
      %run_scoped3A = tpu.sem_alloc : memref<!tpu.dma_semaphore, #tpu.memory_space<semaphore_mem>>
      %dma_start3A_37 = tpu.memref_slice %arg2[%mul3A_2] : memref<32768xi32, #tpu.memory_space<hbm>> -> memref<1024xi32, #tpu.memory_space<hbm>>
      %dma_start3A_38 = tpu.memref_slice %arg2[%mul3A_2] : memref<32768xi32, #tpu.memory_space<hbm>> -> memref<1024xi32, #tpu.memory_space<hbm>>
      tpu.enqueue_dma source(%dma_start3A_38 : memref<1024xi32, #tpu.memory_space<hbm>>) target(%arg5 : memref<1024xi32, #tpu.memory_space<vmem>>) target_semaphore(%run_scoped3A : memref<!tpu.dma_semaphore, #tpu.memory_space<semaphore_mem>>)
      %dma_wait3A = tpu.memref_slice %arg2[%mul3A_2] : memref<32768xi32, #tpu.memory_space<hbm>> -> memref<1024xi32, #tpu.memory_space<hbm>>
      %dma_wait3A_39 = tpu.memref_slice %arg2[%mul3A_2] : memref<32768xi32, #tpu.memory_space<hbm>> -> memref<1024xi32, #tpu.memory_space<hbm>>
      tpu.wait_dma2 semaphore(%run_scoped3A : memref<!tpu.dma_semaphore, #tpu.memory_space<semaphore_mem>>) src(%dma_wait3A_39 : memref<1024xi32, #tpu.memory_space<hbm>>) dst(%arg5 : memref<1024xi32, #tpu.memory_space<vmem>>)
      tpu.yield
    }) : () -> ()
    %dma_start3A = arith.constant 0 : i32
    %dma_start3A_3 = arith.constant 0 : i32
    %dma_start3A_4 = arith.constant 0 : i32
    %dma_start3A_5 = tpu.memref_slice %arg6[%dma_start3A, %dma_start3A_3, %dma_start3A_4] : memref<6x8x2048xf32, #tpu.memory_space<vmem>> -> memref<1x8x2048xf32, #tpu.memory_space<vmem>>
    %dma_start3A_6 = tpu.memref_squeeze %dma_start3A_5 : memref<1x8x2048xf32, #tpu.memory_space<vmem>> -> memref<8x2048xf32, #tpu.memory_space<vmem>>
    %dma_start3A_7 = arith.constant 0 : i32
    %dma_start3A_8 = tpu.memref_slice %arg5[%dma_start3A_7] : memref<1024xi32, #tpu.memory_space<vmem>> -> memref<8xi32, #tpu.memory_space<vmem>>
    %dma_start3A_9 = arith.constant 0 : i32
    %dma_start3A_10 = arith.constant 0 : i32
    %dma_start3A_11 = tpu.memref_slice %arg3[%dma_start3A_9, %dma_start3A_10] : memref<151936x2048xf32, #tpu.memory_space<hbm>> -> memref<151936x2048xf32, #tpu.memory_space<hbm>>
    tpu.enqueue_indirect_dma source(%dma_start3A_11 : memref<151936x2048xf32, #tpu.memory_space<hbm>>) target(%dma_start3A_6 : memref<8x2048xf32, #tpu.memory_space<vmem>>) offsets(%dma_start3A_8 : memref<8xi32, #tpu.memory_space<vmem>>) semaphore(%arg7 : memref<!tpu.dma_semaphore, #tpu.memory_space<semaphore_mem>>)
    %dma_start3A_12 = arith.constant 1 : i32
    %dma_start3A_13 = arith.constant 0 : i32
    %dma_start3A_14 = arith.constant 0 : i32
    %dma_start3A_15 = tpu.memref_slice %arg6[%dma_start3A_12, %dma_start3A_13, %dma_start3A_14] : memref<6x8x2048xf32, #tpu.memory_space<vmem>> -> memref<1x8x2048xf32, #tpu.memory_space<vmem>>
    %dma_start3A_16 = tpu.memref_squeeze %dma_start3A_15 : memref<1x8x2048xf32, #tpu.memory_space<vmem>> -> memref<8x2048xf32, #tpu.memory_space<vmem>>
    %dma_start3A_17 = arith.constant 8 : i32
    %dma_start3A_18 = tpu.memref_slice %arg5[%dma_start3A_17] : memref<1024xi32, #tpu.memory_space<vmem>> -> memref<8xi32, #tpu.memory_space<vmem>>
    %dma_start3A_19 = arith.constant 0 : i32
    %dma_start3A_20 = arith.constant 0 : i32
    %dma_start3A_21 = tpu.memref_slice %arg3[%dma_start3A_19, %dma_start3A_20] : memref<151936x2048xf32, #tpu.memory_space<hbm>> -> memref<151936x2048xf32, #tpu.memory_space<hbm>>
    tpu.enqueue_indirect_dma source(%dma_start3A_21 : memref<151936x2048xf32, #tpu.memory_space<hbm>>) target(%dma_start3A_16 : memref<8x2048xf32, #tpu.memory_space<vmem>>) offsets(%dma_start3A_18 : memref<8xi32, #tpu.memory_space<vmem>>) semaphore(%arg7 : memref<!tpu.dma_semaphore, #tpu.memory_space<semaphore_mem>>)
    %dma_start3A_22 = arith.constant 2 : i32
    %dma_start3A_23 = arith.constant 0 : i32
    %dma_start3A_24 = arith.constant 0 : i32
    %dma_start3A_25 = tpu.memref_slice %arg6[%dma_start3A_22, %dma_start3A_23, %dma_start3A_24] : memref<6x8x2048xf32, #tpu.memory_space<vmem>> -> memref<1x8x2048xf32, #tpu.memory_space<vmem>>
    %dma_start3A_26 = tpu.memref_squeeze %dma_start3A_25 : memref<1x8x2048xf32, #tpu.memory_space<vmem>> -> memref<8x2048xf32, #tpu.memory_space<vmem>>
    %dma_start3A_27 = arith.constant 16 : i32
    %dma_start3A_28 = tpu.memref_slice %arg5[%dma_start3A_27] : memref<1024xi32, #tpu.memory_space<vmem>> -> memref<8xi32, #tpu.memory_space<vmem>>
    %dma_start3A_29 = arith.constant 0 : i32
    %dma_start3A_30 = arith.constant 0 : i32
    %dma_start3A_31 = tpu.memref_slice %arg3[%dma_start3A_29, %dma_start3A_30] : memref<151936x2048xf32, #tpu.memory_space<hbm>> -> memref<151936x2048xf32, #tpu.memory_space<hbm>>
    tpu.enqueue_indirect_dma source(%dma_start3A_31 : memref<151936x2048xf32, #tpu.memory_space<hbm>>) target(%dma_start3A_26 : memref<8x2048xf32, #tpu.memory_space<vmem>>) offsets(%dma_start3A_28 : memref<8xi32, #tpu.memory_space<vmem>>) semaphore(%arg7 : memref<!tpu.dma_semaphore, #tpu.memory_space<semaphore_mem>>)
    %scan3A = arith.constant 0 : i32
    %scan3A_32 = arith.constant 0 : i32
    %scan3A_33 = arith.constant 22 : i32
    %scan3A_34 = arith.addi %scan3A_32, %scan3A_33 : i32
    %scan3A_35 = arith.constant 1 : i32
    scf.for %scan3A_37 = %scan3A_32 to %scan3A_34 step %scan3A_35  : i32 {
      %mul3A_38 = arith.constant 6 : i32
      %mul3A_39 = arith.muli %scan3A_37, %mul3A_38 : i32
      %add3A_40 = arith.constant 0 : i32
      %add3A_41 = arith.addi %mul3A_39, %add3A_40 : i32
      %ge3A = arith.constant 3 : i32
      %ge3A_42 = arith.cmpi sge, %add3A_41, %ge3A : i32
      %lt3A = arith.constant 131 : i32
      %lt3A_43 = arith.cmpi slt, %add3A_41, %lt3A : i32
      %and3A = arith.andi %ge3A_42, %lt3A_43 : i1
      %convert_element_type3A = arith.extui %and3A : i1 to i32
      %cond3A = arith.constant 0 : i32
      %cond3A_44 = arith.cmpi ne, %convert_element_type3A, %cond3A : i32
      scf.if %cond3A_44 {
        %sub3A = arith.constant 3 : i32
        %sub3A_167 = arith.subi %add3A_41, %sub3A : i32
        %jit3A = arith.constant 6 : i32
        %eq3A = arith.constant 0 : i32
        %eq3A_168 = arith.cmpi eq, %jit3A, %eq3A : i32
        %jit3A_169 = arith.constant 1 : i32
        %select_n3A = arith.select %eq3A_168, %jit3A_169, %jit3A : i32
        %rem3A = arith.remsi %sub3A_167, %select_n3A : i32
        %ne3A = arith.constant 0 : i32
        %ne3A_170 = arith.cmpi ne, %rem3A, %ne3A : i32
        %lt3A_171 = arith.constant 0 : i32
        %lt3A_172 = arith.cmpi slt, %rem3A, %lt3A_171 : i32
        %lt3A_173 = arith.constant 0 : i32
        %lt3A_174 = arith.cmpi slt, %select_n3A, %lt3A_173 : i32
        %ne3A_175 = arith.xori %lt3A_172, %lt3A_174 : i1
        %and3A_176 = arith.andi %ne3A_175, %ne3A_170 : i1
        %add3A_177 = arith.addi %rem3A, %select_n3A : i32
        %select_n3A_178 = arith.select %and3A_176, %add3A_177, %rem3A : i32
        %dma_wait3A = arith.constant 0 : i32
        %dma_wait3A_179 = arith.constant 0 : i32
        %dma_wait3A_180 = tpu.memref_slice %arg6[%select_n3A_178, %dma_wait3A, %dma_wait3A_179] : memref<6x8x2048xf32, #tpu.memory_space<vmem>> -> memref<1x8x2048xf32, #tpu.memory_space<vmem>>
        %dma_wait3A_181 = tpu.memref_squeeze %dma_wait3A_180 : memref<1x8x2048xf32, #tpu.memory_space<vmem>> -> memref<8x2048xf32, #tpu.memory_space<vmem>>
        %dma_wait3A_182 = arith.constant 0 : i32
        %dma_wait3A_183 = tpu.memref_slice %arg4[%mul3A_2, %dma_wait3A_182] : memref<32768x2048xf32, #tpu.memory_space<hbm>> -> memref<8x2048xf32, #tpu.memory_space<hbm>>
        %dma_wait3A_184 = arith.constant 0 : i32
        %dma_wait3A_185 = tpu.memref_slice %arg4[%mul3A_2, %dma_wait3A_184] : memref<32768x2048xf32, #tpu.memory_space<hbm>> -> memref<8x2048xf32, #tpu.memory_space<hbm>>
        %dma_wait3A_186 = arith.constant 0 : i32
        %dma_wait3A_187 = arith.constant 0 : i32
        %dma_wait3A_188 = tpu.memref_slice %arg6[%select_n3A_178, %dma_wait3A_186, %dma_wait3A_187] : memref<6x8x2048xf32, #tpu.memory_space<vmem>> -> memref<1x8x2048xf32, #tpu.memory_space<vmem>>
        %dma_wait3A_189 = tpu.memref_squeeze %dma_wait3A_188 : memref<1x8x2048xf32, #tpu.memory_space<vmem>> -> memref<8x2048xf32, #tpu.memory_space<vmem>>
        tpu.wait_dma2 semaphore(%arg8 : memref<!tpu.dma_semaphore, #tpu.memory_space<semaphore_mem>>) src(%dma_wait3A_189 : memref<8x2048xf32, #tpu.memory_space<vmem>>) dst(%dma_wait3A_185 : memref<8x2048xf32, #tpu.memory_space<hbm>>)
      } else {
      }
      %add3A_45 = arith.constant 3 : i32
      %add3A_46 = arith.addi %add3A_41, %add3A_45 : i32
      %lt3A_47 = arith.constant 128 : i32
      %lt3A_48 = arith.cmpi slt, %add3A_46, %lt3A_47 : i32
      %convert_element_type3A_49 = arith.extui %lt3A_48 : i1 to i32
      %cond3A_50 = arith.constant 0 : i32
      %cond3A_51 = arith.cmpi ne, %convert_element_type3A_49, %cond3A_50 : i32
      scf.if %cond3A_51 {
        %add3A_167 = arith.constant 3 : i32
        %add3A_168 = arith.addi %add3A_41, %add3A_167 : i32
        %add3A_169 = arith.constant 3 : i32
        %add3A_170 = arith.addi %add3A_41, %add3A_169 : i32
        %jit3A = arith.constant 6 : i32
        %eq3A = arith.constant 0 : i32
        %eq3A_171 = arith.cmpi eq, %jit3A, %eq3A : i32
        %jit3A_172 = arith.constant 1 : i32
        %select_n3A = arith.select %eq3A_171, %jit3A_172, %jit3A : i32
        %rem3A = arith.remsi %add3A_170, %select_n3A : i32
        %ne3A = arith.constant 0 : i32
        %ne3A_173 = arith.cmpi ne, %rem3A, %ne3A : i32
        %lt3A_174 = arith.constant 0 : i32
        %lt3A_175 = arith.cmpi slt, %rem3A, %lt3A_174 : i32
        %lt3A_176 = arith.constant 0 : i32
        %lt3A_177 = arith.cmpi slt, %select_n3A, %lt3A_176 : i32
        %ne3A_178 = arith.xori %lt3A_175, %lt3A_177 : i1
        %and3A_179 = arith.andi %ne3A_178, %ne3A_173 : i1
        %add3A_180 = arith.addi %rem3A, %select_n3A : i32
        %select_n3A_181 = arith.select %and3A_179, %add3A_180, %rem3A : i32
        %mul3A_182 = arith.constant 8 : i32
        %mul3A_183 = arith.muli %add3A_168, %mul3A_182 : i32
        %dma_start3A_184 = arith.constant 0 : i32
        %dma_start3A_185 = arith.constant 0 : i32
        %dma_start3A_186 = tpu.memref_slice %arg6[%select_n3A_181, %dma_start3A_184, %dma_start3A_185] : memref<6x8x2048xf32, #tpu.memory_space<vmem>> -> memref<1x8x2048xf32, #tpu.memory_space<vmem>>
        %dma_start3A_187 = tpu.memref_squeeze %dma_start3A_186 : memref<1x8x2048xf32, #tpu.memory_space<vmem>> -> memref<8x2048xf32, #tpu.memory_space<vmem>>
        %dma_start3A_188 = tpu.memref_slice %arg5[%mul3A_183] : memref<1024xi32, #tpu.memory_space<vmem>> -> memref<8xi32, #tpu.memory_space<vmem>>
        %dma_start3A_189 = arith.constant 0 : i32
        %dma_start3A_190 = arith.constant 0 : i32
        %dma_start3A_191 = tpu.memref_slice %arg3[%dma_start3A_189, %dma_start3A_190] : memref<151936x2048xf32, #tpu.memory_space<hbm>> -> memref<151936x2048xf32, #tpu.memory_space<hbm>>
        tpu.enqueue_indirect_dma source(%dma_start3A_191 : memref<151936x2048xf32, #tpu.memory_space<hbm>>) target(%dma_start3A_187 : memref<8x2048xf32, #tpu.memory_space<vmem>>) offsets(%dma_start3A_188 : memref<8xi32, #tpu.memory_space<vmem>>) semaphore(%arg7 : memref<!tpu.dma_semaphore, #tpu.memory_space<semaphore_mem>>)
      } else {
      }
      %lt3A_52 = arith.constant 128 : i32
      %lt3A_53 = arith.cmpi slt, %add3A_41, %lt3A_52 : i32
      %convert_element_type3A_54 = arith.extui %lt3A_53 : i1 to i32
      %cond3A_55 = arith.constant 0 : i32
      %cond3A_56 = arith.cmpi ne, %convert_element_type3A_54, %cond3A_55 : i32
      scf.if %cond3A_56 {
        %dma_wait3A = arith.constant 0 : i32
        %dma_wait3A_167 = arith.constant 0 : i32
        %dma_wait3A_168 = arith.constant 0 : i32
        %dma_wait3A_169 = tpu.memref_slice %arg6[%dma_wait3A, %dma_wait3A_167, %dma_wait3A_168] : memref<6x8x2048xf32, #tpu.memory_space<vmem>> -> memref<1x8x2048xf32, #tpu.memory_space<vmem>>
        %dma_wait3A_170 = tpu.memref_squeeze %dma_wait3A_169 : memref<1x8x2048xf32, #tpu.memory_space<vmem>> -> memref<8x2048xf32, #tpu.memory_space<vmem>>
        %dma_wait3A_171 = arith.constant 0 : i32
        %dma_wait3A_172 = tpu.memref_slice %arg5[%dma_wait3A_171] : memref<1024xi32, #tpu.memory_space<vmem>> -> memref<8xi32, #tpu.memory_space<vmem>>
        %dma_wait3A_173 = arith.constant 0 : i32
        %dma_wait3A_174 = arith.constant 0 : i32
        %dma_wait3A_175 = tpu.memref_slice %arg3[%dma_wait3A_173, %dma_wait3A_174] : memref<151936x2048xf32, #tpu.memory_space<hbm>> -> memref<151936x2048xf32, #tpu.memory_space<hbm>>
        tpu.wait_indirect_dma semaphore(%arg7 : memref<!tpu.dma_semaphore, #tpu.memory_space<semaphore_mem>>) src(%dma_wait3A_175 : memref<151936x2048xf32, #tpu.memory_space<hbm>>) dst(%dma_wait3A_170 : memref<8x2048xf32, #tpu.memory_space<vmem>>)
        %mul3A_176 = arith.constant 8 : i32
        %mul3A_177 = arith.muli %add3A_41, %mul3A_176 : i32
        %add3A_178 = arith.addi %mul3A_2, %mul3A_177 : i32
        %dma_start3A_179 = arith.constant 0 : i32
        %dma_start3A_180 = arith.constant 0 : i32
        %dma_start3A_181 = arith.constant 0 : i32
        %dma_start3A_182 = tpu.memref_slice %arg6[%dma_start3A_179, %dma_start3A_180, %dma_start3A_181] : memref<6x8x2048xf32, #tpu.memory_space<vmem>> -> memref<1x8x2048xf32, #tpu.memory_space<vmem>>
        %dma_start3A_183 = tpu.memref_squeeze %dma_start3A_182 : memref<1x8x2048xf32, #tpu.memory_space<vmem>> -> memref<8x2048xf32, #tpu.memory_space<vmem>>
        %dma_start3A_184 = arith.constant 0 : i32
        %dma_start3A_185 = tpu.memref_slice %arg4[%add3A_178, %dma_start3A_184] : memref<32768x2048xf32, #tpu.memory_space<hbm>> -> memref<8x2048xf32, #tpu.memory_space<hbm>>
        %dma_start3A_186 = arith.constant 0 : i32
        %dma_start3A_187 = tpu.memref_slice %arg4[%add3A_178, %dma_start3A_186] : memref<32768x2048xf32, #tpu.memory_space<hbm>> -> memref<8x2048xf32, #tpu.memory_space<hbm>>
        %dma_start3A_188 = arith.constant 0 : i32
        %dma_start3A_189 = arith.constant 0 : i32
        %dma_start3A_190 = tpu.memref_slice %arg6[%dma_start3A_179, %dma_start3A_188, %dma_start3A_189] : memref<6x8x2048xf32, #tpu.memory_space<vmem>> -> memref<1x8x2048xf32, #tpu.memory_space<vmem>>
        %dma_start3A_191 = tpu.memref_squeeze %dma_start3A_190 : memref<1x8x2048xf32, #tpu.memory_space<vmem>> -> memref<8x2048xf32, #tpu.memory_space<vmem>>
        tpu.enqueue_dma source(%dma_start3A_191 : memref<8x2048xf32, #tpu.memory_space<vmem>>) target(%dma_start3A_187 : memref<8x2048xf32, #tpu.memory_space<hbm>>) target_semaphore(%arg8 : memref<!tpu.dma_semaphore, #tpu.memory_space<semaphore_mem>>)
      } else {
      }
      %add3A_57 = arith.constant 1 : i32
      %add3A_58 = arith.addi %mul3A_39, %add3A_57 : i32
      %ge3A_59 = arith.constant 3 : i32
      %ge3A_60 = arith.cmpi sge, %add3A_58, %ge3A_59 : i32
      %lt3A_61 = arith.constant 131 : i32
      %lt3A_62 = arith.cmpi slt, %add3A_58, %lt3A_61 : i32
      %and3A_63 = arith.andi %ge3A_60, %lt3A_62 : i1
      %convert_element_type3A_64 = arith.extui %and3A_63 : i1 to i32
      %cond3A_65 = arith.constant 0 : i32
      %cond3A_66 = arith.cmpi ne, %convert_element_type3A_64, %cond3A_65 : i32
      scf.if %cond3A_66 {
        %sub3A = arith.constant 3 : i32
        %sub3A_167 = arith.subi %add3A_58, %sub3A : i32
        %jit3A = arith.constant 6 : i32
        %eq3A = arith.constant 0 : i32
        %eq3A_168 = arith.cmpi eq, %jit3A, %eq3A : i32
        %jit3A_169 = arith.constant 1 : i32
        %select_n3A = arith.select %eq3A_168, %jit3A_169, %jit3A : i32
        %rem3A = arith.remsi %sub3A_167, %select_n3A : i32
        %ne3A = arith.constant 0 : i32
        %ne3A_170 = arith.cmpi ne, %rem3A, %ne3A : i32
        %lt3A_171 = arith.constant 0 : i32
        %lt3A_172 = arith.cmpi slt, %rem3A, %lt3A_171 : i32
        %lt3A_173 = arith.constant 0 : i32
        %lt3A_174 = arith.cmpi slt, %select_n3A, %lt3A_173 : i32
        %ne3A_175 = arith.xori %lt3A_172, %lt3A_174 : i1
        %and3A_176 = arith.andi %ne3A_175, %ne3A_170 : i1
        %add3A_177 = arith.addi %rem3A, %select_n3A : i32
        %select_n3A_178 = arith.select %and3A_176, %add3A_177, %rem3A : i32
        %dma_wait3A = arith.constant 0 : i32
        %dma_wait3A_179 = arith.constant 0 : i32
        %dma_wait3A_180 = tpu.memref_slice %arg6[%select_n3A_178, %dma_wait3A, %dma_wait3A_179] : memref<6x8x2048xf32, #tpu.memory_space<vmem>> -> memref<1x8x2048xf32, #tpu.memory_space<vmem>>
        %dma_wait3A_181 = tpu.memref_squeeze %dma_wait3A_180 : memref<1x8x2048xf32, #tpu.memory_space<vmem>> -> memref<8x2048xf32, #tpu.memory_space<vmem>>
        %dma_wait3A_182 = arith.constant 0 : i32
        %dma_wait3A_183 = tpu.memref_slice %arg4[%mul3A_2, %dma_wait3A_182] : memref<32768x2048xf32, #tpu.memory_space<hbm>> -> memref<8x2048xf32, #tpu.memory_space<hbm>>
        %dma_wait3A_184 = arith.constant 0 : i32
        %dma_wait3A_185 = tpu.memref_slice %arg4[%mul3A_2, %dma_wait3A_184] : memref<32768x2048xf32, #tpu.memory_space<hbm>> -> memref<8x2048xf32, #tpu.memory_space<hbm>>
        %dma_wait3A_186 = arith.constant 0 : i32
        %dma_wait3A_187 = arith.constant 0 : i32
        %dma_wait3A_188 = tpu.memref_slice %arg6[%select_n3A_178, %dma_wait3A_186, %dma_wait3A_187] : memref<6x8x2048xf32, #tpu.memory_space<vmem>> -> memref<1x8x2048xf32, #tpu.memory_space<vmem>>
        %dma_wait3A_189 = tpu.memref_squeeze %dma_wait3A_188 : memref<1x8x2048xf32, #tpu.memory_space<vmem>> -> memref<8x2048xf32, #tpu.memory_space<vmem>>
        tpu.wait_dma2 semaphore(%arg8 : memref<!tpu.dma_semaphore, #tpu.memory_space<semaphore_mem>>) src(%dma_wait3A_189 : memref<8x2048xf32, #tpu.memory_space<vmem>>) dst(%dma_wait3A_185 : memref<8x2048xf32, #tpu.memory_space<hbm>>)
      } else {
      }
      %add3A_67 = arith.constant 3 : i32
      %add3A_68 = arith.addi %add3A_58, %add3A_67 : i32
      %lt3A_69 = arith.constant 128 : i32
      %lt3A_70 = arith.cmpi slt, %add3A_68, %lt3A_69 : i32
      %convert_element_type3A_71 = arith.extui %lt3A_70 : i1 to i32
      %cond3A_72 = arith.constant 0 : i32
      %cond3A_73 = arith.cmpi ne, %convert_element_type3A_71, %cond3A_72 : i32
      scf.if %cond3A_73 {
        %add3A_167 = arith.constant 3 : i32
        %add3A_168 = arith.addi %add3A_58, %add3A_167 : i32
        %add3A_169 = arith.constant 3 : i32
        %add3A_170 = arith.addi %add3A_58, %add3A_169 : i32
        %jit3A = arith.constant 6 : i32
        %eq3A = arith.constant 0 : i32
        %eq3A_171 = arith.cmpi eq, %jit3A, %eq3A : i32
        %jit3A_172 = arith.constant 1 : i32
        %select_n3A = arith.select %eq3A_171, %jit3A_172, %jit3A : i32
        %rem3A = arith.remsi %add3A_170, %select_n3A : i32
        %ne3A = arith.constant 0 : i32
        %ne3A_173 = arith.cmpi ne, %rem3A, %ne3A : i32
        %lt3A_174 = arith.constant 0 : i32
        %lt3A_175 = arith.cmpi slt, %rem3A, %lt3A_174 : i32
        %lt3A_176 = arith.constant 0 : i32
        %lt3A_177 = arith.cmpi slt, %select_n3A, %lt3A_176 : i32
        %ne3A_178 = arith.xori %lt3A_175, %lt3A_177 : i1
        %and3A_179 = arith.andi %ne3A_178, %ne3A_173 : i1
        %add3A_180 = arith.addi %rem3A, %select_n3A : i32
        %select_n3A_181 = arith.select %and3A_179, %add3A_180, %rem3A : i32
        %mul3A_182 = arith.constant 8 : i32
        %mul3A_183 = arith.muli %add3A_168, %mul3A_182 : i32
        %dma_start3A_184 = arith.constant 0 : i32
        %dma_start3A_185 = arith.constant 0 : i32
        %dma_start3A_186 = tpu.memref_slice %arg6[%select_n3A_181, %dma_start3A_184, %dma_start3A_185] : memref<6x8x2048xf32, #tpu.memory_space<vmem>> -> memref<1x8x2048xf32, #tpu.memory_space<vmem>>
        %dma_start3A_187 = tpu.memref_squeeze %dma_start3A_186 : memref<1x8x2048xf32, #tpu.memory_space<vmem>> -> memref<8x2048xf32, #tpu.memory_space<vmem>>
        %dma_start3A_188 = tpu.memref_slice %arg5[%mul3A_183] : memref<1024xi32, #tpu.memory_space<vmem>> -> memref<8xi32, #tpu.memory_space<vmem>>
        %dma_start3A_189 = arith.constant 0 : i32
        %dma_start3A_190 = arith.constant 0 : i32
        %dma_start3A_191 = tpu.memref_slice %arg3[%dma_start3A_189, %dma_start3A_190] : memref<151936x2048xf32, #tpu.memory_space<hbm>> -> memref<151936x2048xf32, #tpu.memory_space<hbm>>
        tpu.enqueue_indirect_dma source(%dma_start3A_191 : memref<151936x2048xf32, #tpu.memory_space<hbm>>) target(%dma_start3A_187 : memref<8x2048xf32, #tpu.memory_space<vmem>>) offsets(%dma_start3A_188 : memref<8xi32, #tpu.memory_space<vmem>>) semaphore(%arg7 : memref<!tpu.dma_semaphore, #tpu.memory_space<semaphore_mem>>)
      } else {
      }
      %lt3A_74 = arith.constant 128 : i32
      %lt3A_75 = arith.cmpi slt, %add3A_58, %lt3A_74 : i32
      %convert_element_type3A_76 = arith.extui %lt3A_75 : i1 to i32
      %cond3A_77 = arith.constant 0 : i32
      %cond3A_78 = arith.cmpi ne, %convert_element_type3A_76, %cond3A_77 : i32
      scf.if %cond3A_78 {
        %dma_wait3A = arith.constant 1 : i32
        %dma_wait3A_167 = arith.constant 0 : i32
        %dma_wait3A_168 = arith.constant 0 : i32
        %dma_wait3A_169 = tpu.memref_slice %arg6[%dma_wait3A, %dma_wait3A_167, %dma_wait3A_168] : memref<6x8x2048xf32, #tpu.memory_space<vmem>> -> memref<1x8x2048xf32, #tpu.memory_space<vmem>>
        %dma_wait3A_170 = tpu.memref_squeeze %dma_wait3A_169 : memref<1x8x2048xf32, #tpu.memory_space<vmem>> -> memref<8x2048xf32, #tpu.memory_space<vmem>>
        %dma_wait3A_171 = arith.constant 0 : i32
        %dma_wait3A_172 = tpu.memref_slice %arg5[%dma_wait3A_171] : memref<1024xi32, #tpu.memory_space<vmem>> -> memref<8xi32, #tpu.memory_space<vmem>>
        %dma_wait3A_173 = arith.constant 0 : i32
        %dma_wait3A_174 = arith.constant 0 : i32
        %dma_wait3A_175 = tpu.memref_slice %arg3[%dma_wait3A_173, %dma_wait3A_174] : memref<151936x2048xf32, #tpu.memory_space<hbm>> -> memref<151936x2048xf32, #tpu.memory_space<hbm>>
        tpu.wait_indirect_dma semaphore(%arg7 : memref<!tpu.dma_semaphore, #tpu.memory_space<semaphore_mem>>) src(%dma_wait3A_175 : memref<151936x2048xf32, #tpu.memory_space<hbm>>) dst(%dma_wait3A_170 : memref<8x2048xf32, #tpu.memory_space<vmem>>)
        %mul3A_176 = arith.constant 8 : i32
        %mul3A_177 = arith.muli %add3A_58, %mul3A_176 : i32
        %add3A_178 = arith.addi %mul3A_2, %mul3A_177 : i32
        %dma_start3A_179 = arith.constant 1 : i32
        %dma_start3A_180 = arith.constant 0 : i32
        %dma_start3A_181 = arith.constant 0 : i32
        %dma_start3A_182 = tpu.memref_slice %arg6[%dma_start3A_179, %dma_start3A_180, %dma_start3A_181] : memref<6x8x2048xf32, #tpu.memory_space<vmem>> -> memref<1x8x2048xf32, #tpu.memory_space<vmem>>
        %dma_start3A_183 = tpu.memref_squeeze %dma_start3A_182 : memref<1x8x2048xf32, #tpu.memory_space<vmem>> -> memref<8x2048xf32, #tpu.memory_space<vmem>>
        %dma_start3A_184 = arith.constant 0 : i32
        %dma_start3A_185 = tpu.memref_slice %arg4[%add3A_178, %dma_start3A_184] : memref<32768x2048xf32, #tpu.memory_space<hbm>> -> memref<8x2048xf32, #tpu.memory_space<hbm>>
        %dma_start3A_186 = arith.constant 0 : i32
        %dma_start3A_187 = tpu.memref_slice %arg4[%add3A_178, %dma_start3A_186] : memref<32768x2048xf32, #tpu.memory_space<hbm>> -> memref<8x2048xf32, #tpu.memory_space<hbm>>
        %dma_start3A_188 = arith.constant 0 : i32
        %dma_start3A_189 = arith.constant 0 : i32
        %dma_start3A_190 = tpu.memref_slice %arg6[%dma_start3A_179, %dma_start3A_188, %dma_start3A_189] : memref<6x8x2048xf32, #tpu.memory_space<vmem>> -> memref<1x8x2048xf32, #tpu.memory_space<vmem>>
        %dma_start3A_191 = tpu.memref_squeeze %dma_start3A_190 : memref<1x8x2048xf32, #tpu.memory_space<vmem>> -> memref<8x2048xf32, #tpu.memory_space<vmem>>
        tpu.enqueue_dma source(%dma_start3A_191 : memref<8x2048xf32, #tpu.memory_space<vmem>>) target(%dma_start3A_187 : memref<8x2048xf32, #tpu.memory_space<hbm>>) target_semaphore(%arg8 : memref<!tpu.dma_semaphore, #tpu.memory_space<semaphore_mem>>)
      } else {
      }
      %add3A_79 = arith.constant 2 : i32
      %add3A_80 = arith.addi %mul3A_39, %add3A_79 : i32
      %ge3A_81 = arith.constant 3 : i32
      %ge3A_82 = arith.cmpi sge, %add3A_80, %ge3A_81 : i32
      %lt3A_83 = arith.constant 131 : i32
      %lt3A_84 = arith.cmpi slt, %add3A_80, %lt3A_83 : i32
      %and3A_85 = arith.andi %ge3A_82, %lt3A_84 : i1
      %convert_element_type3A_86 = arith.extui %and3A_85 : i1 to i32
      %cond3A_87 = arith.constant 0 : i32
      %cond3A_88 = arith.cmpi ne, %convert_element_type3A_86, %cond3A_87 : i32
      scf.if %cond3A_88 {
        %sub3A = arith.constant 3 : i32
        %sub3A_167 = arith.subi %add3A_80, %sub3A : i32
        %jit3A = arith.constant 6 : i32
        %eq3A = arith.constant 0 : i32
        %eq3A_168 = arith.cmpi eq, %jit3A, %eq3A : i32
        %jit3A_169 = arith.constant 1 : i32
        %select_n3A = arith.select %eq3A_168, %jit3A_169, %jit3A : i32
        %rem3A = arith.remsi %sub3A_167, %select_n3A : i32
        %ne3A = arith.constant 0 : i32
        %ne3A_170 = arith.cmpi ne, %rem3A, %ne3A : i32
        %lt3A_171 = arith.constant 0 : i32
        %lt3A_172 = arith.cmpi slt, %rem3A, %lt3A_171 : i32
        %lt3A_173 = arith.constant 0 : i32
        %lt3A_174 = arith.cmpi slt, %select_n3A, %lt3A_173 : i32
        %ne3A_175 = arith.xori %lt3A_172, %lt3A_174 : i1
        %and3A_176 = arith.andi %ne3A_175, %ne3A_170 : i1
        %add3A_177 = arith.addi %rem3A, %select_n3A : i32
        %select_n3A_178 = arith.select %and3A_176, %add3A_177, %rem3A : i32
        %dma_wait3A = arith.constant 0 : i32
        %dma_wait3A_179 = arith.constant 0 : i32
        %dma_wait3A_180 = tpu.memref_slice %arg6[%select_n3A_178, %dma_wait3A, %dma_wait3A_179] : memref<6x8x2048xf32, #tpu.memory_space<vmem>> -> memref<1x8x2048xf32, #tpu.memory_space<vmem>>
        %dma_wait3A_181 = tpu.memref_squeeze %dma_wait3A_180 : memref<1x8x2048xf32, #tpu.memory_space<vmem>> -> memref<8x2048xf32, #tpu.memory_space<vmem>>
        %dma_wait3A_182 = arith.constant 0 : i32
        %dma_wait3A_183 = tpu.memref_slice %arg4[%mul3A_2, %dma_wait3A_182] : memref<32768x2048xf32, #tpu.memory_space<hbm>> -> memref<8x2048xf32, #tpu.memory_space<hbm>>
        %dma_wait3A_184 = arith.constant 0 : i32
        %dma_wait3A_185 = tpu.memref_slice %arg4[%mul3A_2, %dma_wait3A_184] : memref<32768x2048xf32, #tpu.memory_space<hbm>> -> memref<8x2048xf32, #tpu.memory_space<hbm>>
        %dma_wait3A_186 = arith.constant 0 : i32
        %dma_wait3A_187 = arith.constant 0 : i32
        %dma_wait3A_188 = tpu.memref_slice %arg6[%select_n3A_178, %dma_wait3A_186, %dma_wait3A_187] : memref<6x8x2048xf32, #tpu.memory_space<vmem>> -> memref<1x8x2048xf32, #tpu.memory_space<vmem>>
        %dma_wait3A_189 = tpu.memref_squeeze %dma_wait3A_188 : memref<1x8x2048xf32, #tpu.memory_space<vmem>> -> memref<8x2048xf32, #tpu.memory_space<vmem>>
        tpu.wait_dma2 semaphore(%arg8 : memref<!tpu.dma_semaphore, #tpu.memory_space<semaphore_mem>>) src(%dma_wait3A_189 : memref<8x2048xf32, #tpu.memory_space<vmem>>) dst(%dma_wait3A_185 : memref<8x2048xf32, #tpu.memory_space<hbm>>)
      } else {
      }
      %add3A_89 = arith.constant 3 : i32
      %add3A_90 = arith.addi %add3A_80, %add3A_89 : i32
      %lt3A_91 = arith.constant 128 : i32
      %lt3A_92 = arith.cmpi slt, %add3A_90, %lt3A_91 : i32
      %convert_element_type3A_93 = arith.extui %lt3A_92 : i1 to i32
      %cond3A_94 = arith.constant 0 : i32
      %cond3A_95 = arith.cmpi ne, %convert_element_type3A_93, %cond3A_94 : i32
      scf.if %cond3A_95 {
        %add3A_167 = arith.constant 3 : i32
        %add3A_168 = arith.addi %add3A_80, %add3A_167 : i32
        %add3A_169 = arith.constant 3 : i32
        %add3A_170 = arith.addi %add3A_80, %add3A_169 : i32
        %jit3A = arith.constant 6 : i32
        %eq3A = arith.constant 0 : i32
        %eq3A_171 = arith.cmpi eq, %jit3A, %eq3A : i32
        %jit3A_172 = arith.constant 1 : i32
        %select_n3A = arith.select %eq3A_171, %jit3A_172, %jit3A : i32
        %rem3A = arith.remsi %add3A_170, %select_n3A : i32
        %ne3A = arith.constant 0 : i32
        %ne3A_173 = arith.cmpi ne, %rem3A, %ne3A : i32
        %lt3A_174 = arith.constant 0 : i32
        %lt3A_175 = arith.cmpi slt, %rem3A, %lt3A_174 : i32
        %lt3A_176 = arith.constant 0 : i32
        %lt3A_177 = arith.cmpi slt, %select_n3A, %lt3A_176 : i32
        %ne3A_178 = arith.xori %lt3A_175, %lt3A_177 : i1
        %and3A_179 = arith.andi %ne3A_178, %ne3A_173 : i1
        %add3A_180 = arith.addi %rem3A, %select_n3A : i32
        %select_n3A_181 = arith.select %and3A_179, %add3A_180, %rem3A : i32
        %mul3A_182 = arith.constant 8 : i32
        %mul3A_183 = arith.muli %add3A_168, %mul3A_182 : i32
        %dma_start3A_184 = arith.constant 0 : i32
        %dma_start3A_185 = arith.constant 0 : i32
        %dma_start3A_186 = tpu.memref_slice %arg6[%select_n3A_181, %dma_start3A_184, %dma_start3A_185] : memref<6x8x2048xf32, #tpu.memory_space<vmem>> -> memref<1x8x2048xf32, #tpu.memory_space<vmem>>
        %dma_start3A_187 = tpu.memref_squeeze %dma_start3A_186 : memref<1x8x2048xf32, #tpu.memory_space<vmem>> -> memref<8x2048xf32, #tpu.memory_space<vmem>>
        %dma_start3A_188 = tpu.memref_slice %arg5[%mul3A_183] : memref<1024xi32, #tpu.memory_space<vmem>> -> memref<8xi32, #tpu.memory_space<vmem>>
        %dma_start3A_189 = arith.constant 0 : i32
        %dma_start3A_190 = arith.constant 0 : i32
        %dma_start3A_191 = tpu.memref_slice %arg3[%dma_start3A_189, %dma_start3A_190] : memref<151936x2048xf32, #tpu.memory_space<hbm>> -> memref<151936x2048xf32, #tpu.memory_space<hbm>>
        tpu.enqueue_indirect_dma source(%dma_start3A_191 : memref<151936x2048xf32, #tpu.memory_space<hbm>>) target(%dma_start3A_187 : memref<8x2048xf32, #tpu.memory_space<vmem>>) offsets(%dma_start3A_188 : memref<8xi32, #tpu.memory_space<vmem>>) semaphore(%arg7 : memref<!tpu.dma_semaphore, #tpu.memory_space<semaphore_mem>>)
      } else {
      }
      %lt3A_96 = arith.constant 128 : i32
      %lt3A_97 = arith.cmpi slt, %add3A_80, %lt3A_96 : i32
      %convert_element_type3A_98 = arith.extui %lt3A_97 : i1 to i32
      %cond3A_99 = arith.constant 0 : i32
      %cond3A_100 = arith.cmpi ne, %convert_element_type3A_98, %cond3A_99 : i32
      scf.if %cond3A_100 {
        %dma_wait3A = arith.constant 2 : i32
        %dma_wait3A_167 = arith.constant 0 : i32
        %dma_wait3A_168 = arith.constant 0 : i32
        %dma_wait3A_169 = tpu.memref_slice %arg6[%dma_wait3A, %dma_wait3A_167, %dma_wait3A_168] : memref<6x8x2048xf32, #tpu.memory_space<vmem>> -> memref<1x8x2048xf32, #tpu.memory_space<vmem>>
        %dma_wait3A_170 = tpu.memref_squeeze %dma_wait3A_169 : memref<1x8x2048xf32, #tpu.memory_space<vmem>> -> memref<8x2048xf32, #tpu.memory_space<vmem>>
        %dma_wait3A_171 = arith.constant 0 : i32
        %dma_wait3A_172 = tpu.memref_slice %arg5[%dma_wait3A_171] : memref<1024xi32, #tpu.memory_space<vmem>> -> memref<8xi32, #tpu.memory_space<vmem>>
        %dma_wait3A_173 = arith.constant 0 : i32
        %dma_wait3A_174 = arith.constant 0 : i32
        %dma_wait3A_175 = tpu.memref_slice %arg3[%dma_wait3A_173, %dma_wait3A_174] : memref<151936x2048xf32, #tpu.memory_space<hbm>> -> memref<151936x2048xf32, #tpu.memory_space<hbm>>
        tpu.wait_indirect_dma semaphore(%arg7 : memref<!tpu.dma_semaphore, #tpu.memory_space<semaphore_mem>>) src(%dma_wait3A_175 : memref<151936x2048xf32, #tpu.memory_space<hbm>>) dst(%dma_wait3A_170 : memref<8x2048xf32, #tpu.memory_space<vmem>>)
        %mul3A_176 = arith.constant 8 : i32
        %mul3A_177 = arith.muli %add3A_80, %mul3A_176 : i32
        %add3A_178 = arith.addi %mul3A_2, %mul3A_177 : i32
        %dma_start3A_179 = arith.constant 2 : i32
        %dma_start3A_180 = arith.constant 0 : i32
        %dma_start3A_181 = arith.constant 0 : i32
        %dma_start3A_182 = tpu.memref_slice %arg6[%dma_start3A_179, %dma_start3A_180, %dma_start3A_181] : memref<6x8x2048xf32, #tpu.memory_space<vmem>> -> memref<1x8x2048xf32, #tpu.memory_space<vmem>>
        %dma_start3A_183 = tpu.memref_squeeze %dma_start3A_182 : memref<1x8x2048xf32, #tpu.memory_space<vmem>> -> memref<8x2048xf32, #tpu.memory_space<vmem>>
        %dma_start3A_184 = arith.constant 0 : i32
        %dma_start3A_185 = tpu.memref_slice %arg4[%add3A_178, %dma_start3A_184] : memref<32768x2048xf32, #tpu.memory_space<hbm>> -> memref<8x2048xf32, #tpu.memory_space<hbm>>
        %dma_start3A_186 = arith.constant 0 : i32
        %dma_start3A_187 = tpu.memref_slice %arg4[%add3A_178, %dma_start3A_186] : memref<32768x2048xf32, #tpu.memory_space<hbm>> -> memref<8x2048xf32, #tpu.memory_space<hbm>>
        %dma_start3A_188 = arith.constant 0 : i32
        %dma_start3A_189 = arith.constant 0 : i32
        %dma_start3A_190 = tpu.memref_slice %arg6[%dma_start3A_179, %dma_start3A_188, %dma_start3A_189] : memref<6x8x2048xf32, #tpu.memory_space<vmem>> -> memref<1x8x2048xf32, #tpu.memory_space<vmem>>
        %dma_start3A_191 = tpu.memref_squeeze %dma_start3A_190 : memref<1x8x2048xf32, #tpu.memory_space<vmem>> -> memref<8x2048xf32, #tpu.memory_space<vmem>>
        tpu.enqueue_dma source(%dma_start3A_191 : memref<8x2048xf32, #tpu.memory_space<vmem>>) target(%dma_start3A_187 : memref<8x2048xf32, #tpu.memory_space<hbm>>) target_semaphore(%arg8 : memref<!tpu.dma_semaphore, #tpu.memory_space<semaphore_mem>>)
      } else {
      }
      %add3A_101 = arith.constant 3 : i32
      %add3A_102 = arith.addi %mul3A_39, %add3A_101 : i32
      %ge3A_103 = arith.constant 3 : i32
      %ge3A_104 = arith.cmpi sge, %add3A_102, %ge3A_103 : i32
      %lt3A_105 = arith.constant 131 : i32
      %lt3A_106 = arith.cmpi slt, %add3A_102, %lt3A_105 : i32
      %and3A_107 = arith.andi %ge3A_104, %lt3A_106 : i1
      %convert_element_type3A_108 = arith.extui %and3A_107 : i1 to i32
      %cond3A_109 = arith.constant 0 : i32
      %cond3A_110 = arith.cmpi ne, %convert_element_type3A_108, %cond3A_109 : i32
      scf.if %cond3A_110 {
        %sub3A = arith.constant 3 : i32
        %sub3A_167 = arith.subi %add3A_102, %sub3A : i32
        %jit3A = arith.constant 6 : i32
        %eq3A = arith.constant 0 : i32
        %eq3A_168 = arith.cmpi eq, %jit3A, %eq3A : i32
        %jit3A_169 = arith.constant 1 : i32
        %select_n3A = arith.select %eq3A_168, %jit3A_169, %jit3A : i32
        %rem3A = arith.remsi %sub3A_167, %select_n3A : i32
        %ne3A = arith.constant 0 : i32
        %ne3A_170 = arith.cmpi ne, %rem3A, %ne3A : i32
        %lt3A_171 = arith.constant 0 : i32
        %lt3A_172 = arith.cmpi slt, %rem3A, %lt3A_171 : i32
        %lt3A_173 = arith.constant 0 : i32
        %lt3A_174 = arith.cmpi slt, %select_n3A, %lt3A_173 : i32
        %ne3A_175 = arith.xori %lt3A_172, %lt3A_174 : i1
        %and3A_176 = arith.andi %ne3A_175, %ne3A_170 : i1
        %add3A_177 = arith.addi %rem3A, %select_n3A : i32
        %select_n3A_178 = arith.select %and3A_176, %add3A_177, %rem3A : i32
        %dma_wait3A = arith.constant 0 : i32
        %dma_wait3A_179 = arith.constant 0 : i32
        %dma_wait3A_180 = tpu.memref_slice %arg6[%select_n3A_178, %dma_wait3A, %dma_wait3A_179] : memref<6x8x2048xf32, #tpu.memory_space<vmem>> -> memref<1x8x2048xf32, #tpu.memory_space<vmem>>
        %dma_wait3A_181 = tpu.memref_squeeze %dma_wait3A_180 : memref<1x8x2048xf32, #tpu.memory_space<vmem>> -> memref<8x2048xf32, #tpu.memory_space<vmem>>
        %dma_wait3A_182 = arith.constant 0 : i32
        %dma_wait3A_183 = tpu.memref_slice %arg4[%mul3A_2, %dma_wait3A_182] : memref<32768x2048xf32, #tpu.memory_space<hbm>> -> memref<8x2048xf32, #tpu.memory_space<hbm>>
        %dma_wait3A_184 = arith.constant 0 : i32
        %dma_wait3A_185 = tpu.memref_slice %arg4[%mul3A_2, %dma_wait3A_184] : memref<32768x2048xf32, #tpu.memory_space<hbm>> -> memref<8x2048xf32, #tpu.memory_space<hbm>>
        %dma_wait3A_186 = arith.constant 0 : i32
        %dma_wait3A_187 = arith.constant 0 : i32
        %dma_wait3A_188 = tpu.memref_slice %arg6[%select_n3A_178, %dma_wait3A_186, %dma_wait3A_187] : memref<6x8x2048xf32, #tpu.memory_space<vmem>> -> memref<1x8x2048xf32, #tpu.memory_space<vmem>>
        %dma_wait3A_189 = tpu.memref_squeeze %dma_wait3A_188 : memref<1x8x2048xf32, #tpu.memory_space<vmem>> -> memref<8x2048xf32, #tpu.memory_space<vmem>>
        tpu.wait_dma2 semaphore(%arg8 : memref<!tpu.dma_semaphore, #tpu.memory_space<semaphore_mem>>) src(%dma_wait3A_189 : memref<8x2048xf32, #tpu.memory_space<vmem>>) dst(%dma_wait3A_185 : memref<8x2048xf32, #tpu.memory_space<hbm>>)
      } else {
      }
      %add3A_111 = arith.constant 3 : i32
      %add3A_112 = arith.addi %add3A_102, %add3A_111 : i32
      %lt3A_113 = arith.constant 128 : i32
      %lt3A_114 = arith.cmpi slt, %add3A_112, %lt3A_113 : i32
      %convert_element_type3A_115 = arith.extui %lt3A_114 : i1 to i32
      %cond3A_116 = arith.constant 0 : i32
      %cond3A_117 = arith.cmpi ne, %convert_element_type3A_115, %cond3A_116 : i32
      scf.if %cond3A_117 {
        %add3A_167 = arith.constant 3 : i32
        %add3A_168 = arith.addi %add3A_102, %add3A_167 : i32
        %add3A_169 = arith.constant 3 : i32
        %add3A_170 = arith.addi %add3A_102, %add3A_169 : i32
        %jit3A = arith.constant 6 : i32
        %eq3A = arith.constant 0 : i32
        %eq3A_171 = arith.cmpi eq, %jit3A, %eq3A : i32
        %jit3A_172 = arith.constant 1 : i32
        %select_n3A = arith.select %eq3A_171, %jit3A_172, %jit3A : i32
        %rem3A = arith.remsi %add3A_170, %select_n3A : i32
        %ne3A = arith.constant 0 : i32
        %ne3A_173 = arith.cmpi ne, %rem3A, %ne3A : i32
        %lt3A_174 = arith.constant 0 : i32
        %lt3A_175 = arith.cmpi slt, %rem3A, %lt3A_174 : i32
        %lt3A_176 = arith.constant 0 : i32
        %lt3A_177 = arith.cmpi slt, %select_n3A, %lt3A_176 : i32
        %ne3A_178 = arith.xori %lt3A_175, %lt3A_177 : i1
        %and3A_179 = arith.andi %ne3A_178, %ne3A_173 : i1
        %add3A_180 = arith.addi %rem3A, %select_n3A : i32
        %select_n3A_181 = arith.select %and3A_179, %add3A_180, %rem3A : i32
        %mul3A_182 = arith.constant 8 : i32
        %mul3A_183 = arith.muli %add3A_168, %mul3A_182 : i32
        %dma_start3A_184 = arith.constant 0 : i32
        %dma_start3A_185 = arith.constant 0 : i32
        %dma_start3A_186 = tpu.memref_slice %arg6[%select_n3A_181, %dma_start3A_184, %dma_start3A_185] : memref<6x8x2048xf32, #tpu.memory_space<vmem>> -> memref<1x8x2048xf32, #tpu.memory_space<vmem>>
        %dma_start3A_187 = tpu.memref_squeeze %dma_start3A_186 : memref<1x8x2048xf32, #tpu.memory_space<vmem>> -> memref<8x2048xf32, #tpu.memory_space<vmem>>
        %dma_start3A_188 = tpu.memref_slice %arg5[%mul3A_183] : memref<1024xi32, #tpu.memory_space<vmem>> -> memref<8xi32, #tpu.memory_space<vmem>>
        %dma_start3A_189 = arith.constant 0 : i32
        %dma_start3A_190 = arith.constant 0 : i32
        %dma_start3A_191 = tpu.memref_slice %arg3[%dma_start3A_189, %dma_start3A_190] : memref<151936x2048xf32, #tpu.memory_space<hbm>> -> memref<151936x2048xf32, #tpu.memory_space<hbm>>
        tpu.enqueue_indirect_dma source(%dma_start3A_191 : memref<151936x2048xf32, #tpu.memory_space<hbm>>) target(%dma_start3A_187 : memref<8x2048xf32, #tpu.memory_space<vmem>>) offsets(%dma_start3A_188 : memref<8xi32, #tpu.memory_space<vmem>>) semaphore(%arg7 : memref<!tpu.dma_semaphore, #tpu.memory_space<semaphore_mem>>)
      } else {
      }
      %lt3A_118 = arith.constant 128 : i32
      %lt3A_119 = arith.cmpi slt, %add3A_102, %lt3A_118 : i32
      %convert_element_type3A_120 = arith.extui %lt3A_119 : i1 to i32
      %cond3A_121 = arith.constant 0 : i32
      %cond3A_122 = arith.cmpi ne, %convert_element_type3A_120, %cond3A_121 : i32
      scf.if %cond3A_122 {
        %dma_wait3A = arith.constant 3 : i32
        %dma_wait3A_167 = arith.constant 0 : i32
        %dma_wait3A_168 = arith.constant 0 : i32
        %dma_wait3A_169 = tpu.memref_slice %arg6[%dma_wait3A, %dma_wait3A_167, %dma_wait3A_168] : memref<6x8x2048xf32, #tpu.memory_space<vmem>> -> memref<1x8x2048xf32, #tpu.memory_space<vmem>>
        %dma_wait3A_170 = tpu.memref_squeeze %dma_wait3A_169 : memref<1x8x2048xf32, #tpu.memory_space<vmem>> -> memref<8x2048xf32, #tpu.memory_space<vmem>>
        %dma_wait3A_171 = arith.constant 0 : i32
        %dma_wait3A_172 = tpu.memref_slice %arg5[%dma_wait3A_171] : memref<1024xi32, #tpu.memory_space<vmem>> -> memref<8xi32, #tpu.memory_space<vmem>>
        %dma_wait3A_173 = arith.constant 0 : i32
        %dma_wait3A_174 = arith.constant 0 : i32
        %dma_wait3A_175 = tpu.memref_slice %arg3[%dma_wait3A_173, %dma_wait3A_174] : memref<151936x2048xf32, #tpu.memory_space<hbm>> -> memref<151936x2048xf32, #tpu.memory_space<hbm>>
        tpu.wait_indirect_dma semaphore(%arg7 : memref<!tpu.dma_semaphore, #tpu.memory_space<semaphore_mem>>) src(%dma_wait3A_175 : memref<151936x2048xf32, #tpu.memory_space<hbm>>) dst(%dma_wait3A_170 : memref<8x2048xf32, #tpu.memory_space<vmem>>)
        %mul3A_176 = arith.constant 8 : i32
        %mul3A_177 = arith.muli %add3A_102, %mul3A_176 : i32
        %add3A_178 = arith.addi %mul3A_2, %mul3A_177 : i32
        %dma_start3A_179 = arith.constant 3 : i32
        %dma_start3A_180 = arith.constant 0 : i32
        %dma_start3A_181 = arith.constant 0 : i32
        %dma_start3A_182 = tpu.memref_slice %arg6[%dma_start3A_179, %dma_start3A_180, %dma_start3A_181] : memref<6x8x2048xf32, #tpu.memory_space<vmem>> -> memref<1x8x2048xf32, #tpu.memory_space<vmem>>
        %dma_start3A_183 = tpu.memref_squeeze %dma_start3A_182 : memref<1x8x2048xf32, #tpu.memory_space<vmem>> -> memref<8x2048xf32, #tpu.memory_space<vmem>>
        %dma_start3A_184 = arith.constant 0 : i32
        %dma_start3A_185 = tpu.memref_slice %arg4[%add3A_178, %dma_start3A_184] : memref<32768x2048xf32, #tpu.memory_space<hbm>> -> memref<8x2048xf32, #tpu.memory_space<hbm>>
        %dma_start3A_186 = arith.constant 0 : i32
        %dma_start3A_187 = tpu.memref_slice %arg4[%add3A_178, %dma_start3A_186] : memref<32768x2048xf32, #tpu.memory_space<hbm>> -> memref<8x2048xf32, #tpu.memory_space<hbm>>
        %dma_start3A_188 = arith.constant 0 : i32
        %dma_start3A_189 = arith.constant 0 : i32
        %dma_start3A_190 = tpu.memref_slice %arg6[%dma_start3A_179, %dma_start3A_188, %dma_start3A_189] : memref<6x8x2048xf32, #tpu.memory_space<vmem>> -> memref<1x8x2048xf32, #tpu.memory_space<vmem>>
        %dma_start3A_191 = tpu.memref_squeeze %dma_start3A_190 : memref<1x8x2048xf32, #tpu.memory_space<vmem>> -> memref<8x2048xf32, #tpu.memory_space<vmem>>
        tpu.enqueue_dma source(%dma_start3A_191 : memref<8x2048xf32, #tpu.memory_space<vmem>>) target(%dma_start3A_187 : memref<8x2048xf32, #tpu.memory_space<hbm>>) target_semaphore(%arg8 : memref<!tpu.dma_semaphore, #tpu.memory_space<semaphore_mem>>)
      } else {
      }
      %add3A_123 = arith.constant 4 : i32
      %add3A_124 = arith.addi %mul3A_39, %add3A_123 : i32
      %ge3A_125 = arith.constant 3 : i32
      %ge3A_126 = arith.cmpi sge, %add3A_124, %ge3A_125 : i32
      %lt3A_127 = arith.constant 131 : i32
      %lt3A_128 = arith.cmpi slt, %add3A_124, %lt3A_127 : i32
      %and3A_129 = arith.andi %ge3A_126, %lt3A_128 : i1
      %convert_element_type3A_130 = arith.extui %and3A_129 : i1 to i32
      %cond3A_131 = arith.constant 0 : i32
      %cond3A_132 = arith.cmpi ne, %convert_element_type3A_130, %cond3A_131 : i32
      scf.if %cond3A_132 {
        %sub3A = arith.constant 3 : i32
        %sub3A_167 = arith.subi %add3A_124, %sub3A : i32
        %jit3A = arith.constant 6 : i32
        %eq3A = arith.constant 0 : i32
        %eq3A_168 = arith.cmpi eq, %jit3A, %eq3A : i32
        %jit3A_169 = arith.constant 1 : i32
        %select_n3A = arith.select %eq3A_168, %jit3A_169, %jit3A : i32
        %rem3A = arith.remsi %sub3A_167, %select_n3A : i32
        %ne3A = arith.constant 0 : i32
        %ne3A_170 = arith.cmpi ne, %rem3A, %ne3A : i32
        %lt3A_171 = arith.constant 0 : i32
        %lt3A_172 = arith.cmpi slt, %rem3A, %lt3A_171 : i32
        %lt3A_173 = arith.constant 0 : i32
        %lt3A_174 = arith.cmpi slt, %select_n3A, %lt3A_173 : i32
        %ne3A_175 = arith.xori %lt3A_172, %lt3A_174 : i1
        %and3A_176 = arith.andi %ne3A_175, %ne3A_170 : i1
        %add3A_177 = arith.addi %rem3A, %select_n3A : i32
        %select_n3A_178 = arith.select %and3A_176, %add3A_177, %rem3A : i32
        %dma_wait3A = arith.constant 0 : i32
        %dma_wait3A_179 = arith.constant 0 : i32
        %dma_wait3A_180 = tpu.memref_slice %arg6[%select_n3A_178, %dma_wait3A, %dma_wait3A_179] : memref<6x8x2048xf32, #tpu.memory_space<vmem>> -> memref<1x8x2048xf32, #tpu.memory_space<vmem>>
        %dma_wait3A_181 = tpu.memref_squeeze %dma_wait3A_180 : memref<1x8x2048xf32, #tpu.memory_space<vmem>> -> memref<8x2048xf32, #tpu.memory_space<vmem>>
        %dma_wait3A_182 = arith.constant 0 : i32
        %dma_wait3A_183 = tpu.memref_slice %arg4[%mul3A_2, %dma_wait3A_182] : memref<32768x2048xf32, #tpu.memory_space<hbm>> -> memref<8x2048xf32, #tpu.memory_space<hbm>>
        %dma_wait3A_184 = arith.constant 0 : i32
        %dma_wait3A_185 = tpu.memref_slice %arg4[%mul3A_2, %dma_wait3A_184] : memref<32768x2048xf32, #tpu.memory_space<hbm>> -> memref<8x2048xf32, #tpu.memory_space<hbm>>
        %dma_wait3A_186 = arith.constant 0 : i32
        %dma_wait3A_187 = arith.constant 0 : i32
        %dma_wait3A_188 = tpu.memref_slice %arg6[%select_n3A_178, %dma_wait3A_186, %dma_wait3A_187] : memref<6x8x2048xf32, #tpu.memory_space<vmem>> -> memref<1x8x2048xf32, #tpu.memory_space<vmem>>
        %dma_wait3A_189 = tpu.memref_squeeze %dma_wait3A_188 : memref<1x8x2048xf32, #tpu.memory_space<vmem>> -> memref<8x2048xf32, #tpu.memory_space<vmem>>
        tpu.wait_dma2 semaphore(%arg8 : memref<!tpu.dma_semaphore, #tpu.memory_space<semaphore_mem>>) src(%dma_wait3A_189 : memref<8x2048xf32, #tpu.memory_space<vmem>>) dst(%dma_wait3A_185 : memref<8x2048xf32, #tpu.memory_space<hbm>>)
      } else {
      }
      %add3A_133 = arith.constant 3 : i32
      %add3A_134 = arith.addi %add3A_124, %add3A_133 : i32
      %lt3A_135 = arith.constant 128 : i32
      %lt3A_136 = arith.cmpi slt, %add3A_134, %lt3A_135 : i32
      %convert_element_type3A_137 = arith.extui %lt3A_136 : i1 to i32
      %cond3A_138 = arith.constant 0 : i32
      %cond3A_139 = arith.cmpi ne, %convert_element_type3A_137, %cond3A_138 : i32
      scf.if %cond3A_139 {
        %add3A_167 = arith.constant 3 : i32
        %add3A_168 = arith.addi %add3A_124, %add3A_167 : i32
        %add3A_169 = arith.constant 3 : i32
        %add3A_170 = arith.addi %add3A_124, %add3A_169 : i32
        %jit3A = arith.constant 6 : i32
        %eq3A = arith.constant 0 : i32
        %eq3A_171 = arith.cmpi eq, %jit3A, %eq3A : i32
        %jit3A_172 = arith.constant 1 : i32
        %select_n3A = arith.select %eq3A_171, %jit3A_172, %jit3A : i32
        %rem3A = arith.remsi %add3A_170, %select_n3A : i32
        %ne3A = arith.constant 0 : i32
        %ne3A_173 = arith.cmpi ne, %rem3A, %ne3A : i32
        %lt3A_174 = arith.constant 0 : i32
        %lt3A_175 = arith.cmpi slt, %rem3A, %lt3A_174 : i32
        %lt3A_176 = arith.constant 0 : i32
        %lt3A_177 = arith.cmpi slt, %select_n3A, %lt3A_176 : i32
        %ne3A_178 = arith.xori %lt3A_175, %lt3A_177 : i1
        %and3A_179 = arith.andi %ne3A_178, %ne3A_173 : i1
        %add3A_180 = arith.addi %rem3A, %select_n3A : i32
        %select_n3A_181 = arith.select %and3A_179, %add3A_180, %rem3A : i32
        %mul3A_182 = arith.constant 8 : i32
        %mul3A_183 = arith.muli %add3A_168, %mul3A_182 : i32
        %dma_start3A_184 = arith.constant 0 : i32
        %dma_start3A_185 = arith.constant 0 : i32
        %dma_start3A_186 = tpu.memref_slice %arg6[%select_n3A_181, %dma_start3A_184, %dma_start3A_185] : memref<6x8x2048xf32, #tpu.memory_space<vmem>> -> memref<1x8x2048xf32, #tpu.memory_space<vmem>>
        %dma_start3A_187 = tpu.memref_squeeze %dma_start3A_186 : memref<1x8x2048xf32, #tpu.memory_space<vmem>> -> memref<8x2048xf32, #tpu.memory_space<vmem>>
        %dma_start3A_188 = tpu.memref_slice %arg5[%mul3A_183] : memref<1024xi32, #tpu.memory_space<vmem>> -> memref<8xi32, #tpu.memory_space<vmem>>
        %dma_start3A_189 = arith.constant 0 : i32
        %dma_start3A_190 = arith.constant 0 : i32
        %dma_start3A_191 = tpu.memref_slice %arg3[%dma_start3A_189, %dma_start3A_190] : memref<151936x2048xf32, #tpu.memory_space<hbm>> -> memref<151936x2048xf32, #tpu.memory_space<hbm>>
        tpu.enqueue_indirect_dma source(%dma_start3A_191 : memref<151936x2048xf32, #tpu.memory_space<hbm>>) target(%dma_start3A_187 : memref<8x2048xf32, #tpu.memory_space<vmem>>) offsets(%dma_start3A_188 : memref<8xi32, #tpu.memory_space<vmem>>) semaphore(%arg7 : memref<!tpu.dma_semaphore, #tpu.memory_space<semaphore_mem>>)
      } else {
      }
      %lt3A_140 = arith.constant 128 : i32
      %lt3A_141 = arith.cmpi slt, %add3A_124, %lt3A_140 : i32
      %convert_element_type3A_142 = arith.extui %lt3A_141 : i1 to i32
      %cond3A_143 = arith.constant 0 : i32
      %cond3A_144 = arith.cmpi ne, %convert_element_type3A_142, %cond3A_143 : i32
      scf.if %cond3A_144 {
        %dma_wait3A = arith.constant 4 : i32
        %dma_wait3A_167 = arith.constant 0 : i32
        %dma_wait3A_168 = arith.constant 0 : i32
        %dma_wait3A_169 = tpu.memref_slice %arg6[%dma_wait3A, %dma_wait3A_167, %dma_wait3A_168] : memref<6x8x2048xf32, #tpu.memory_space<vmem>> -> memref<1x8x2048xf32, #tpu.memory_space<vmem>>
        %dma_wait3A_170 = tpu.memref_squeeze %dma_wait3A_169 : memref<1x8x2048xf32, #tpu.memory_space<vmem>> -> memref<8x2048xf32, #tpu.memory_space<vmem>>
        %dma_wait3A_171 = arith.constant 0 : i32
        %dma_wait3A_172 = tpu.memref_slice %arg5[%dma_wait3A_171] : memref<1024xi32, #tpu.memory_space<vmem>> -> memref<8xi32, #tpu.memory_space<vmem>>
        %dma_wait3A_173 = arith.constant 0 : i32
        %dma_wait3A_174 = arith.constant 0 : i32
        %dma_wait3A_175 = tpu.memref_slice %arg3[%dma_wait3A_173, %dma_wait3A_174] : memref<151936x2048xf32, #tpu.memory_space<hbm>> -> memref<151936x2048xf32, #tpu.memory_space<hbm>>
        tpu.wait_indirect_dma semaphore(%arg7 : memref<!tpu.dma_semaphore, #tpu.memory_space<semaphore_mem>>) src(%dma_wait3A_175 : memref<151936x2048xf32, #tpu.memory_space<hbm>>) dst(%dma_wait3A_170 : memref<8x2048xf32, #tpu.memory_space<vmem>>)
        %mul3A_176 = arith.constant 8 : i32
        %mul3A_177 = arith.muli %add3A_124, %mul3A_176 : i32
        %add3A_178 = arith.addi %mul3A_2, %mul3A_177 : i32
        %dma_start3A_179 = arith.constant 4 : i32
        %dma_start3A_180 = arith.constant 0 : i32
        %dma_start3A_181 = arith.constant 0 : i32
        %dma_start3A_182 = tpu.memref_slice %arg6[%dma_start3A_179, %dma_start3A_180, %dma_start3A_181] : memref<6x8x2048xf32, #tpu.memory_space<vmem>> -> memref<1x8x2048xf32, #tpu.memory_space<vmem>>
        %dma_start3A_183 = tpu.memref_squeeze %dma_start3A_182 : memref<1x8x2048xf32, #tpu.memory_space<vmem>> -> memref<8x2048xf32, #tpu.memory_space<vmem>>
        %dma_start3A_184 = arith.constant 0 : i32
        %dma_start3A_185 = tpu.memref_slice %arg4[%add3A_178, %dma_start3A_184] : memref<32768x2048xf32, #tpu.memory_space<hbm>> -> memref<8x2048xf32, #tpu.memory_space<hbm>>
        %dma_start3A_186 = arith.constant 0 : i32
        %dma_start3A_187 = tpu.memref_slice %arg4[%add3A_178, %dma_start3A_186] : memref<32768x2048xf32, #tpu.memory_space<hbm>> -> memref<8x2048xf32, #tpu.memory_space<hbm>>
        %dma_start3A_188 = arith.constant 0 : i32
        %dma_start3A_189 = arith.constant 0 : i32
        %dma_start3A_190 = tpu.memref_slice %arg6[%dma_start3A_179, %dma_start3A_188, %dma_start3A_189] : memref<6x8x2048xf32, #tpu.memory_space<vmem>> -> memref<1x8x2048xf32, #tpu.memory_space<vmem>>
        %dma_start3A_191 = tpu.memref_squeeze %dma_start3A_190 : memref<1x8x2048xf32, #tpu.memory_space<vmem>> -> memref<8x2048xf32, #tpu.memory_space<vmem>>
        tpu.enqueue_dma source(%dma_start3A_191 : memref<8x2048xf32, #tpu.memory_space<vmem>>) target(%dma_start3A_187 : memref<8x2048xf32, #tpu.memory_space<hbm>>) target_semaphore(%arg8 : memref<!tpu.dma_semaphore, #tpu.memory_space<semaphore_mem>>)
      } else {
      }
      %add3A_145 = arith.constant 5 : i32
      %add3A_146 = arith.addi %mul3A_39, %add3A_145 : i32
      %ge3A_147 = arith.constant 3 : i32
      %ge3A_148 = arith.cmpi sge, %add3A_146, %ge3A_147 : i32
      %lt3A_149 = arith.constant 131 : i32
      %lt3A_150 = arith.cmpi slt, %add3A_146, %lt3A_149 : i32
      %and3A_151 = arith.andi %ge3A_148, %lt3A_150 : i1
      %convert_element_type3A_152 = arith.extui %and3A_151 : i1 to i32
      %cond3A_153 = arith.constant 0 : i32
      %cond3A_154 = arith.cmpi ne, %convert_element_type3A_152, %cond3A_153 : i32
      scf.if %cond3A_154 {
        %sub3A = arith.constant 3 : i32
        %sub3A_167 = arith.subi %add3A_146, %sub3A : i32
        %jit3A = arith.constant 6 : i32
        %eq3A = arith.constant 0 : i32
        %eq3A_168 = arith.cmpi eq, %jit3A, %eq3A : i32
        %jit3A_169 = arith.constant 1 : i32
        %select_n3A = arith.select %eq3A_168, %jit3A_169, %jit3A : i32
        %rem3A = arith.remsi %sub3A_167, %select_n3A : i32
        %ne3A = arith.constant 0 : i32
        %ne3A_170 = arith.cmpi ne, %rem3A, %ne3A : i32
        %lt3A_171 = arith.constant 0 : i32
        %lt3A_172 = arith.cmpi slt, %rem3A, %lt3A_171 : i32
        %lt3A_173 = arith.constant 0 : i32
        %lt3A_174 = arith.cmpi slt, %select_n3A, %lt3A_173 : i32
        %ne3A_175 = arith.xori %lt3A_172, %lt3A_174 : i1
        %and3A_176 = arith.andi %ne3A_175, %ne3A_170 : i1
        %add3A_177 = arith.addi %rem3A, %select_n3A : i32
        %select_n3A_178 = arith.select %and3A_176, %add3A_177, %rem3A : i32
        %dma_wait3A = arith.constant 0 : i32
        %dma_wait3A_179 = arith.constant 0 : i32
        %dma_wait3A_180 = tpu.memref_slice %arg6[%select_n3A_178, %dma_wait3A, %dma_wait3A_179] : memref<6x8x2048xf32, #tpu.memory_space<vmem>> -> memref<1x8x2048xf32, #tpu.memory_space<vmem>>
        %dma_wait3A_181 = tpu.memref_squeeze %dma_wait3A_180 : memref<1x8x2048xf32, #tpu.memory_space<vmem>> -> memref<8x2048xf32, #tpu.memory_space<vmem>>
        %dma_wait3A_182 = arith.constant 0 : i32
        %dma_wait3A_183 = tpu.memref_slice %arg4[%mul3A_2, %dma_wait3A_182] : memref<32768x2048xf32, #tpu.memory_space<hbm>> -> memref<8x2048xf32, #tpu.memory_space<hbm>>
        %dma_wait3A_184 = arith.constant 0 : i32
        %dma_wait3A_185 = tpu.memref_slice %arg4[%mul3A_2, %dma_wait3A_184] : memref<32768x2048xf32, #tpu.memory_space<hbm>> -> memref<8x2048xf32, #tpu.memory_space<hbm>>
        %dma_wait3A_186 = arith.constant 0 : i32
        %dma_wait3A_187 = arith.constant 0 : i32
        %dma_wait3A_188 = tpu.memref_slice %arg6[%select_n3A_178, %dma_wait3A_186, %dma_wait3A_187] : memref<6x8x2048xf32, #tpu.memory_space<vmem>> -> memref<1x8x2048xf32, #tpu.memory_space<vmem>>
        %dma_wait3A_189 = tpu.memref_squeeze %dma_wait3A_188 : memref<1x8x2048xf32, #tpu.memory_space<vmem>> -> memref<8x2048xf32, #tpu.memory_space<vmem>>
        tpu.wait_dma2 semaphore(%arg8 : memref<!tpu.dma_semaphore, #tpu.memory_space<semaphore_mem>>) src(%dma_wait3A_189 : memref<8x2048xf32, #tpu.memory_space<vmem>>) dst(%dma_wait3A_185 : memref<8x2048xf32, #tpu.memory_space<hbm>>)
      } else {
      }
      %add3A_155 = arith.constant 3 : i32
      %add3A_156 = arith.addi %add3A_146, %add3A_155 : i32
      %lt3A_157 = arith.constant 128 : i32
      %lt3A_158 = arith.cmpi slt, %add3A_156, %lt3A_157 : i32
      %convert_element_type3A_159 = arith.extui %lt3A_158 : i1 to i32
      %cond3A_160 = arith.constant 0 : i32
      %cond3A_161 = arith.cmpi ne, %convert_element_type3A_159, %cond3A_160 : i32
      scf.if %cond3A_161 {
        %add3A_167 = arith.constant 3 : i32
        %add3A_168 = arith.addi %add3A_146, %add3A_167 : i32
        %add3A_169 = arith.constant 3 : i32
        %add3A_170 = arith.addi %add3A_146, %add3A_169 : i32
        %jit3A = arith.constant 6 : i32
        %eq3A = arith.constant 0 : i32
        %eq3A_171 = arith.cmpi eq, %jit3A, %eq3A : i32
        %jit3A_172 = arith.constant 1 : i32
        %select_n3A = arith.select %eq3A_171, %jit3A_172, %jit3A : i32
        %rem3A = arith.remsi %add3A_170, %select_n3A : i32
        %ne3A = arith.constant 0 : i32
        %ne3A_173 = arith.cmpi ne, %rem3A, %ne3A : i32
        %lt3A_174 = arith.constant 0 : i32
        %lt3A_175 = arith.cmpi slt, %rem3A, %lt3A_174 : i32
        %lt3A_176 = arith.constant 0 : i32
        %lt3A_177 = arith.cmpi slt, %select_n3A, %lt3A_176 : i32
        %ne3A_178 = arith.xori %lt3A_175, %lt3A_177 : i1
        %and3A_179 = arith.andi %ne3A_178, %ne3A_173 : i1
        %add3A_180 = arith.addi %rem3A, %select_n3A : i32
        %select_n3A_181 = arith.select %and3A_179, %add3A_180, %rem3A : i32
        %mul3A_182 = arith.constant 8 : i32
        %mul3A_183 = arith.muli %add3A_168, %mul3A_182 : i32
        %dma_start3A_184 = arith.constant 0 : i32
        %dma_start3A_185 = arith.constant 0 : i32
        %dma_start3A_186 = tpu.memref_slice %arg6[%select_n3A_181, %dma_start3A_184, %dma_start3A_185] : memref<6x8x2048xf32, #tpu.memory_space<vmem>> -> memref<1x8x2048xf32, #tpu.memory_space<vmem>>
        %dma_start3A_187 = tpu.memref_squeeze %dma_start3A_186 : memref<1x8x2048xf32, #tpu.memory_space<vmem>> -> memref<8x2048xf32, #tpu.memory_space<vmem>>
        %dma_start3A_188 = tpu.memref_slice %arg5[%mul3A_183] : memref<1024xi32, #tpu.memory_space<vmem>> -> memref<8xi32, #tpu.memory_space<vmem>>
        %dma_start3A_189 = arith.constant 0 : i32
        %dma_start3A_190 = arith.constant 0 : i32
        %dma_start3A_191 = tpu.memref_slice %arg3[%dma_start3A_189, %dma_start3A_190] : memref<151936x2048xf32, #tpu.memory_space<hbm>> -> memref<151936x2048xf32, #tpu.memory_space<hbm>>
        tpu.enqueue_indirect_dma source(%dma_start3A_191 : memref<151936x2048xf32, #tpu.memory_space<hbm>>) target(%dma_start3A_187 : memref<8x2048xf32, #tpu.memory_space<vmem>>) offsets(%dma_start3A_188 : memref<8xi32, #tpu.memory_space<vmem>>) semaphore(%arg7 : memref<!tpu.dma_semaphore, #tpu.memory_space<semaphore_mem>>)
      } else {
      }
      %lt3A_162 = arith.constant 128 : i32
      %lt3A_163 = arith.cmpi slt, %add3A_146, %lt3A_162 : i32
      %convert_element_type3A_164 = arith.extui %lt3A_163 : i1 to i32
      %cond3A_165 = arith.constant 0 : i32
      %cond3A_166 = arith.cmpi ne, %convert_element_type3A_164, %cond3A_165 : i32
      scf.if %cond3A_166 {
        %dma_wait3A = arith.constant 5 : i32
        %dma_wait3A_167 = arith.constant 0 : i32
        %dma_wait3A_168 = arith.constant 0 : i32
        %dma_wait3A_169 = tpu.memref_slice %arg6[%dma_wait3A, %dma_wait3A_167, %dma_wait3A_168] : memref<6x8x2048xf32, #tpu.memory_space<vmem>> -> memref<1x8x2048xf32, #tpu.memory_space<vmem>>
        %dma_wait3A_170 = tpu.memref_squeeze %dma_wait3A_169 : memref<1x8x2048xf32, #tpu.memory_space<vmem>> -> memref<8x2048xf32, #tpu.memory_space<vmem>>
        %dma_wait3A_171 = arith.constant 0 : i32
        %dma_wait3A_172 = tpu.memref_slice %arg5[%dma_wait3A_171] : memref<1024xi32, #tpu.memory_space<vmem>> -> memref<8xi32, #tpu.memory_space<vmem>>
        %dma_wait3A_173 = arith.constant 0 : i32
        %dma_wait3A_174 = arith.constant 0 : i32
        %dma_wait3A_175 = tpu.memref_slice %arg3[%dma_wait3A_173, %dma_wait3A_174] : memref<151936x2048xf32, #tpu.memory_space<hbm>> -> memref<151936x2048xf32, #tpu.memory_space<hbm>>
        tpu.wait_indirect_dma semaphore(%arg7 : memref<!tpu.dma_semaphore, #tpu.memory_space<semaphore_mem>>) src(%dma_wait3A_175 : memref<151936x2048xf32, #tpu.memory_space<hbm>>) dst(%dma_wait3A_170 : memref<8x2048xf32, #tpu.memory_space<vmem>>)
        %mul3A_176 = arith.constant 8 : i32
        %mul3A_177 = arith.muli %add3A_146, %mul3A_176 : i32
        %add3A_178 = arith.addi %mul3A_2, %mul3A_177 : i32
        %dma_start3A_179 = arith.constant 5 : i32
        %dma_start3A_180 = arith.constant 0 : i32
        %dma_start3A_181 = arith.constant 0 : i32
        %dma_start3A_182 = tpu.memref_slice %arg6[%dma_start3A_179, %dma_start3A_180, %dma_start3A_181] : memref<6x8x2048xf32, #tpu.memory_space<vmem>> -> memref<1x8x2048xf32, #tpu.memory_space<vmem>>
        %dma_start3A_183 = tpu.memref_squeeze %dma_start3A_182 : memref<1x8x2048xf32, #tpu.memory_space<vmem>> -> memref<8x2048xf32, #tpu.memory_space<vmem>>
        %dma_start3A_184 = arith.constant 0 : i32
        %dma_start3A_185 = tpu.memref_slice %arg4[%add3A_178, %dma_start3A_184] : memref<32768x2048xf32, #tpu.memory_space<hbm>> -> memref<8x2048xf32, #tpu.memory_space<hbm>>
        %dma_start3A_186 = arith.constant 0 : i32
        %dma_start3A_187 = tpu.memref_slice %arg4[%add3A_178, %dma_start3A_186] : memref<32768x2048xf32, #tpu.memory_space<hbm>> -> memref<8x2048xf32, #tpu.memory_space<hbm>>
        %dma_start3A_188 = arith.constant 0 : i32
        %dma_start3A_189 = arith.constant 0 : i32
        %dma_start3A_190 = tpu.memref_slice %arg6[%dma_start3A_179, %dma_start3A_188, %dma_start3A_189] : memref<6x8x2048xf32, #tpu.memory_space<vmem>> -> memref<1x8x2048xf32, #tpu.memory_space<vmem>>
        %dma_start3A_191 = tpu.memref_squeeze %dma_start3A_190 : memref<1x8x2048xf32, #tpu.memory_space<vmem>> -> memref<8x2048xf32, #tpu.memory_space<vmem>>
        tpu.enqueue_dma source(%dma_start3A_191 : memref<8x2048xf32, #tpu.memory_space<vmem>>) target(%dma_start3A_187 : memref<8x2048xf32, #tpu.memory_space<hbm>>) target_semaphore(%arg8 : memref<!tpu.dma_semaphore, #tpu.memory_space<semaphore_mem>>)
      } else {
      }
    }
    %scan3A_36 = arith.constant 22 : i32
    return
  }
}

</mosaic_0001>

<sc_bundles>
// kernel: kernel.3.cloned.1.call-start
scs
__scs_entry_jumppad:
0x0: {  	(pc) =	sbr.rel $0x88, $3  }
0x1: {  	(tag) =	ssettag $0x0;
	lr =	simm.s32 $0x1  }
0x2: {  	[smem:$0x3F9F] =	sst lr;
	_ =	strace $0xD0000000  }
0x3: {  	_ = 	snop  }
0x4: {  	_ = 	snop  }
0x5: {  	_ = 	snop  }
0x6: {  	_ = 	snop  }
0x7: {  	_ = 	snop  }
__scs_overlays_trampoline_lowered:
0x8: {  	[smem:$0x3FAE] =	sst s0  }
0x9: {  	[smem:$0x3FAF] =	sst s1  }
0xa: {  	[smem:$0x3FB0] =	sst s2  }
0xb: {  	[smem:$0x3FB1] =	sst s3  }
0xc: {  	[smem:$0x3FB2] =	sst s4  }
0xd: {  	[smem:$0x3FB3] =	sst s5  }
0xe: {  	[smem:$0x3FB4] =	sst s6  }
0xf: {  	[smem:$0x3FB5] =	sst s7  }
0x10: {  	[smem:$0x3FB6] =	sst s8  }
0x11: {  	[smem:$0x3FB7] =	sst s9;
	s0 =	simm.s32 @!p0 $0x0  }
0x12: {  	s1 =	sld [smem:$0x3F9D];
	s0 =	simm.s32 @p0 $0x1  }
0x13: {  	[smem:$0x3FB8] =	sst s0;
	s0 =	simm.s32 @!p1 $0x0  }
0x14: {  	s2 =	sld [smem:$0x3F9C];
	s0 =	simm.s32 @p1 $0x1  }
0x15: {  	[smem:$0x3FB9] =	sst s0;
	s0 =	simm.s32 @!p2 $0x0  }
0x16: {  	s3 =	sld [smem:$0x3FDB];
	s0 =	simm.s32 @p2 $0x1  }
0x17: {  	s4 =	simm.s32 $0x1BF5;
	[smem:$0x3FBB] =	sst s0  }
0x18: {  	s0 =	sld [smem:$0x3F9E];
	_ =	swait.ge [sflag:s4], $0x0  }
0x19: {  	s7 =	sld [smem:$0x3F9F]  }
0x1a: {  	s8 =	sadd.s32 $0xFFFFE003, lr  }
0x1b: {  	s9 =	sadd.s32 $0xFFFFFEF7, lr;
	s5 =	simm.s32 $0xFFFFFFFF;
	p2 =	slt.u32 s8, $0xFFFFF086  }
0x1c: {  	p1 =	slt.u32 s9, $0xF7A;
	s5 =	simm.s32 @!p2 $0x0  }
0x1d: {  	s5 =	simm.s32 @p1 $0x1;
	p0 =	seq.s32 s7, s2  }
0x1e: {  	s7 =	smul.u32 @!p0 $0xF7A, s2;
	p2 =	seq.s32 @!p0 s5, $0x0  }
0x1f: {  	s9 =	smul.u32 $0xF7A, s1;
	s8 =	simm.s32 @!p0 $0x1BF5;
	p2 =	por !p2, p0  }
0x20: {  	[sflag:s8] =	ssyncset.s32 @!p0 $0xFFFFF086;
	s6 =	sadd.s32 @!p0 s3, s7;
	s7 =	simm.s32 @!p0 $0x108  }
0x21: {  	s3 =	sadd.s32 s3, s9;
	s6 =	sadd.s32 @!p0 $0x88, s6;
	s7 =	simm.s32 @p2 $0x1082  }
0x22: {  	[simem:s7], [sflag:s8] =	dma.local @!p0 [hbm:s6], $0xF7A  }
0x23: {  	s9 =	sor.u32 $0xD0000000, s2;
	s6 =	simm.s32 $0x108;
	_ =	swait.ge @!p0 [sflag:s8], $0x0  }
0x24: {  	s3 =	sadd.s32 $0x88, s3;
	s6 =	simm.s32 @!p1 $0x1082;
	[sflag:s4] =	ssyncset.s32 $0xFFFFF086  }
0x25: {  	[simem:s6], [sflag:s4] =	dma.local [hbm:s3], $0xF7A  }
0x26: {  	[smem:$0x3F9F] =	sst s1;
	(tag) =	ssettag s2;
	_ =	strace s9  }
0x27: {  	s1 =	sld [smem:$0x3FAF]  }
0x28: {  	s2 =	sld [smem:$0x3FB0]  }
0x29: {  	s4 =	sld [smem:$0x3FB2]  }
0x2a: {  	p0 =	seq.s32 s5, $0x0;
	s5 =	sld [smem:$0x3FB3]  }
0x2b: {  	s6 =	sld [smem:$0x3FB4]  }
0x2c: {  	s7 =	sld [smem:$0x3FB5]  }
0x2d: {  	s3 =	simm.s32 $0x108;
	s8 =	sld [smem:$0x3FB6]  }
0x2e: {  	s3 =	simm.s32 @!p0 $0x1082;
	s9 =	sld [smem:$0x3FB7]  }
0x2f: {  	lr =	sadd.s32 s0, s3;
	s0 =	sld [smem:$0x3FAE]  }
0x30: {  	s3 =	sld [smem:$0x3FB1]  }
0x31: {  	[smem:$0x3FBA] =	sst s10  }
0x32: {  	s10 =	sld [smem:$0x3FB8];
	_ =	sdelay $0x3  }
0x33: {  	p0 =	seq.s32 s10, $0x1;
	s10 =	sld [smem:$0x3FBA];
	_ =	sdelay $0x3  }
0x34: {  	[smem:$0x3FBA] =	sst s10  }
0x35: {  	s10 =	sld [smem:$0x3FB9];
	_ =	sdelay $0x3  }
0x36: {  	p1 =	seq.s32 s10, $0x1;
	s10 =	sld [smem:$0x3FBA];
	_ =	sdelay $0x3  }
0x37: {  	[smem:$0x3FBA] =	sst s10  }
0x38: {  	s10 =	sld [smem:$0x3FBB]  }
0x39: {  	_ = 	snop;
	(pc) =	sbr.ind lr, $3  }
0x3a: {  	_ = 	snop  }
0x3b: {  	_ = 	snop  }
0x3c: {  	p2 =	seq.s32 s10, $0x1;
	s10 =	sld [smem:$0x3FBA]  }
0x3d: {  	_ =	shalt  }
0x3e: {  	_ =	shalt  }
0x3f: {  	_ =	shalt  }
0x40: {  	_ =	shalt  }
0x41: {  	_ =	shalt  }
0x42: {  	_ =	shalt  }
0x43: {  	_ =	shalt  }
0x44: {  	_ =	shalt  }
0x45: {  	_ =	shalt  }
0x46: {  	_ =	shalt  }
0x47: {  	_ =	shalt  }
0x48: {  	_ =	shalt  }
0x49: {  	_ =	shalt  }
0x4a: {  	_ =	shalt  }
0x4b: {  	_ =	shalt  }
0x4c: {  	_ =	shalt  }
0x4d: {  	_ =	shalt  }
0x4e: {  	_ =	shalt  }
0x4f: {  	_ =	shalt  }
0x50: {  	_ =	shalt  }
0x51: {  	_ =	shalt  }
0x52: {  	_ =	shalt  }
0x53: {  	_ =	shalt  }
0x54: {  	_ =	shalt  }
0x55: {  	_ =	shalt  }
0x56: {  	_ =	shalt  }
0x57: {  	_ =	shalt  }
0x58: {  	_ =	shalt  }
0x59: {  	_ =	shalt  }
0x5a: {  	_ =	shalt  }
0x5b: {  	_ =	shalt  }
0x5c: {  	_ =	shalt  }
0x5d: {  	_ =	shalt  }
0x5e: {  	_ =	shalt  }
0x5f: {  	_ =	shalt  }
0x60: {  	_ =	shalt  }
0x61: {  	_ =	shalt  }
0x62: {  	_ =	shalt  }
0x63: {  	_ =	shalt  }
0x64: {  	_ =	shalt  }
0x65: {  	_ =	shalt  }
0x66: {  	_ =	shalt  }
0x67: {  	_ =	shalt  }
0x68: {  	_ =	shalt  }
0x69: {  	_ =	shalt  }
0x6a: {  	_ =	shalt  }
0x6b: {  	_ =	shalt  }
0x6c: {  	_ =	shalt  }
0x6d: {  	_ =	shalt  }
0x6e: {  	_ =	shalt  }
0x6f: {  	_ =	shalt  }
0x70: {  	_ =	shalt  }
0x71: {  	_ =	shalt  }
0x72: {  	_ =	shalt  }
0x73: {  	_ =	shalt  }
0x74: {  	_ =	shalt  }
0x75: {  	_ =	shalt  }
0x76: {  	_ =	shalt  }
0x77: {  	_ =	shalt  }
0x78: {  	_ =	shalt  }
0x79: {  	_ =	shalt  }
0x7a: {  	_ =	shalt  }
0x7b: {  	_ =	shalt  }
0x7c: {  	_ =	shalt  }
0x7d: {  	_ =	shalt  }
0x7e: {  	_ =	shalt  }
0x7f: {  	_ =	shalt  }
0x80: {  	_ =	shalt  }
0x81: {  	_ =	shalt  }
0x82: {  	_ =	shalt  }
0x83: {  	_ =	shalt  }
0x84: {  	_ =	shalt  }
0x85: {  	_ =	shalt  }
0x86: {  	_ =	shalt  }
0x87: {  	_ =	shalt  }
.Lfunc_end0:
.L_simem_size_0:
called_computation_lowered:
.L_overlay_start_0:
0x88: {  	s2 =	sld [smem:$0x3FD9]  }
0x89: {  	s3 =	sld [smem:$0x3FFE];
	_ =	sdelay $0x1  }
0x8a: {  	s1 =	srdreg.scid  }
0x8b: {  	s0 =	sand.u32 $0x1, s1  }
0x8c: {  	s17 =	sshll.u32 s0, $0xA;
	s2 =	sadd.s32 s3, s2  }
0x8d: {  	s2 =	sadd.s32 s2, s17  }
0x8e: {  	[smem:$0x3FC6] =	sst s2  }
0x8f: {  	_ = 	snop  }
0x90: {  	s2 =	sld [smem:$0x3FC8]  }
0x91: {  	s18 =	sld [smem:$0x3FD0];
	(tm) =	ssettm $0x1  }
0x92: {  	s4 =	sld [smem:$0x3FFB];
	_ =	sdelay $0x3  }
0x93: {  	_ =	strace s4  }
0x94: {  	s4 =	sld [smem:$0x3FFC];
	_ =	sdelay $0x3  }
0x95: {  	_ =	strace s4  }
0x96: {  	s4 =	sld [smem:$0x3FFD];
	_ =	sdelay $0x3  }
0x97: {  	_ =	strace s4  }
0x98: {  	_ =	strace $0x8FFFFFFF  }
0x99: {  	s19 =	sld [smem:$0x3FDB];
	_ =	sdelay $0x1  }
0x9a: {  	s5 =	simm.s32 $_scs_section_size  }
0x9b: {  	s6 =	simm.s32 $_size__tile_overlayer_lowered;
	s7 =	simm.s32 $_tile_overlayer_lowered  }
0x9c: {  	s22 =	simm.s32 $0x1BFF;
	s21 =	sshll.u32 s7, $0x1;
	s4 =	sadd.s32 s5, s19  }
0x9d: {  	s8 =	simm.s32 $0x0;
	s20 =	sshll.u32 s6, $0x1;
	s6 =	sadd.s32 s21, s4  }
0x9e: {  	[timem:s8], [sflag:s22] =	dma.local [hbm:s6], s20  }
0x9f: {  	_ =	swait.ge [sflag:s22], s20  }
0xa0: {  	s5 =	ssub.s32 $0x0, s20;
	[sflag:s22] =	ssyncset.done $0x0  }
0xa1: {  	[sflag:s22] =	ssyncadd.s32 s5;
	_ =	sdelay $0x1  }
0xa2: {  	s23 =	simm.s32 $0x1B8B  }
0xa3: {  	_ =	swait.ge [sflag:s23], $0x1  }
0xa4: {  	[sflag:s23] =	ssyncset.done $0x0  }
0xa5: {  	s25 =	simm.s32 $0x1B8E;
	s24 =	sld [smem:$0x3FFE];
	[sflag:s23] =	ssyncadd.s32 $0xFFFFFFFF  }
0xa6: {  	s26 =	simm.s32 $execute0_lowered;
	[smem:$0x3FD2] =	sst s25  }
0xa7: {  	s6 =	sshll.u32 s26, $0x1;
	_ =	strace $0x80000046;
	[dreg:$0x1] =	wrdreg $0xFFFFFFFF  }
0xa8: {  	s28 =	simm.s32 $_size_execute0_lowered;
	s4 =	sadd.s32 s4, s6;
	[dreg:$0x0] =	wrdreg $0x0  }
0xa9: {  	s6 =	sshll.u32 s28, $0x1;
	[dreg:$0x2] =	wrdreg s4  }
0xaa: {  	[dreg:$0x3] =	wrdreg s6  }
0xab: {  	[dreg:$0x4] =	wrdreg $0xC0  }
0xac: {  	_ =	task [dreg:s8], $0x5FFFF  }
0xad: {  	[dreg:$0x1] =	wrdreg $0xFFFFFFFF  }
0xae: {  	[dreg:$0x0] =	wrdreg $0x60  }
0xaf: {  	[dreg:$0x2] =	wrdreg s24  }
0xb0: {  	[dreg:$0x3] =	wrdreg s2  }
0xb1: {  	[dreg:$0x4] =	wrdreg s18  }
0xb2: {  	[dreg:$0x5] =	wrdreg $0x9  }
0xb3: {  	_ =	task.clear_ibuf [dreg:s8], $0x6FFFF;
	_ =	strace $0x90000046  }
0xb4: {  	s29 =	simm.s32 $0x9;
	_ =	strace $0x80000048  }
0xb5: {  	_ =	swait.ge [sflag:s29], $0x1  }
0xb6: {  	[sflag:s29] =	ssyncadd.s32 $0xFFFFFFFF  }
0xb7: {  	_ =	strace $0x90000048  }
0xb8: {  	_ =	sfence  }
0xb9: {  	s30 =	sld [smem:$0x0];
	_ =	sdelay $0x2  }
0xba: {  	s31 =	sshll.u32 s1, $0xD;
	s1 =	sshrl.u32 s1, $0x2  }
0xbb: {  	s3 =	sand.u32 $0x4000, s31;
	s1 =	sadd.s32 s1, s30  }
0xbc: {  	s0 =	sor.u32 s3, s0;
	s1 =	sshll.u32 s1, $0x11  }
0xbd: {  	s0 =	sor.u32 s1, s0  }
0xbe: {  	s0 =	sadd.s32 $0x8F2B, s0  }
0xbf: {  	[sflag:s0] =	ssyncadd.remote.s32 $0x1  }
0xc0: {  	_ =	sfence.sel $0xFFFF  }
0xc1: {  	[dreg:$0x0] =	wrdreg $0xFFFFFFFF;
	(pc) =	sbr.abs _section_cstart, $3  }
0xc2: {  	[dreg:$0x1] =	wrdreg $0xFFFFFFFF  }
0xc3: {  	_ =	task.clear_ibuf [dreg:s8], $0x2FFFF;
	_ =	strace $0x9FFFFFFF  }
0xc4: {  	(tm) =	ssettm $0x7FFFFFFF  }
0xc5: {  	_ =	shalt  }
tec
execute0_lowered:
.L_overlay_start_1:
0x0: {  	(tag) =	ssettag $0x1  }
0x1: {  	s0 =	rddreg [dreg:$0x0]  }
0x2: {  	s1 =	srdreg.scid;
	s2 =	rddreg [dreg:$0x1]  }
0x3: {  	s14 =	stileid.u32;
	s15 =	rddreg [dreg:$0x2];
	s19 =	simm.s32 $0x400  }
0x4: {  	s28 =	simm.s32 $0x4400;
	s18 =	simm.s32 $0x8400;
	s20 =	simm.s32 $0x2  }
0x5: {  	s21 =	simm.s32 $0x14400;
	s23 =	simm.s32 $0x17C00;
	s24 =	simm.s32 $0xC400  }
0x6: {  	s29 =	simm.s32 $0x10400;
	s1 =	sand.u32 $0x1, s1;
	s3 =	sshll.u32 s14, $0xB  }
0x7: {  	s8 =	sadd.s32 $0x200, s2;
	s9 =	sadd.s32 $0x300, s2;
	s10 =	sadd.s32 $0x400, s2  }
0x8: {  	s11 =	sadd.s32 $0x500, s2;
	s12 =	sadd.s32 $0x600, s2;
	s13 =	sadd.s32 $0x700, s2  }
0x9: {  	s26 =	sshll.u32 s14, $0x13;
	s4 =	sshll.u32 s1, $0xA;
	s6 =	ssub.s32 $0x2, s1  }
0xa: {  	s30 =	sadd.s32 s26, s15;
	s1 =	sshll.u32 s1, $0x12;
	s3 =	sor.u32 s4, s3  }
0xb: {  	s4 =	simm.s32 $0x0;
	s7 =	sshrl.u32 s6, $0x1;
	s16 =	sadd.s32 s1, s30  }
0xc: {  	s1 =	simm.s32 $0x0;
	s5 =	sshrl.u32 s3, $0x3;
	[smem:$0x7FF] =	sst s4  }
.Ltmp0:
0xd: {  	s6 =	ssub.s32 s6, s7;
	s7 =	sadd.s32 $0x100, s2;
	(pc) =	sbr.rel .LBB2_1-.Ltmp0, $4  }
0xe: {  	s25 =	sshll.u32 s3, $0x8;
	s3 =	simm.s32 $0x1;
	s0 =	sadd.s32 s5, s0  }
0xf: {  	v0 =	vlaneseq.u32;
	_ =	strace $0x80000047;
	s14 =	sadd.s32 s25, s15;
	s31 =	smax.u32 s6, $0x1  }
0x10: {  	v1 =	vshrl.u32 v0, $0x3;
	s6 =	simm.s32 $0x7400;
	s0 =	sadd.s32 $0x400, s0;
	[dreg:$0x5] =	wrdreg s31  }
0x11: {  	vm0 =	vmmov $0xffff;
	v0 =	vand.u32 $0x7, v0;
	v1 =	vmul.u32 $0x8, v1;
	s15 =	simm.s32 $0x7C00;
	s17 =	sadd.s32 $0x1000, s14;
	[dreg:$0x4] =	wrdreg s0  }
.LBB2_8:
0x12: {  	_ =	swait.ge [sflag:s20], $0x4000  }
0x13: {  	[sflag:s20] =	ssyncset.done $0x0  }
0x14: {  	[sflag:s20] =	ssyncadd.s32 $0xFFFFC000  }
0x15: {  	_ =	swait.ge [sflag:s20], $0x4000  }
0x16: {  	[sflag:s20] =	ssyncset.done $0x0  }
0x17: {  	[sflag:s20] =	ssyncadd.s32 $0xFFFFC000  }
.LBB2_6:
0x18: {  	s1 =	rddreg [dreg:$0x6]  }
0x19: {  	s0 =	rddreg [dreg:$0x5];
	s1 =	sadd.s32 $0x1, s1  }
0x1a: {  	p0 =	sne.s32 s1, s0  }
.Ltmp1:
0x1b: {  	_ = 	snop;
	(pc) =	sbr.rel @!p0 .LBB2_7-.Ltmp1, $1  }
0x1c: {  	_ =	sdelay $0x3  }
.LBB2_1:
0x1d: {  	[dreg:$0x6] =	wrdreg s1  }
0x1e: {  	s0 =	rddreg [dreg:$0x4];
	s1 =	simm.s32 $0x3  }
0x1f: {  	[tilespmem:s4], [sflag:$0x3] =	stream.linear.gather [hbm4b:s0+s4], $0x400, $0x38;
	[tilespmem:$0x18400] =	vst v63  }
0x20: {  	_ =	swait.ge [sflag:s1], $0x400  }
0x21: {  	[sflag:s1] =	ssyncset.done $0x0  }
0x22: {  	[sflag:s1] =	ssyncadd.s32 $0xFFFFFC00  }
0x23: {  	v2 =	vld.msk [tilespmem:$0x0], $0xff;
	_ =	sdelay $0x4  }
0x24: {  	v3 =	vshll.u32 v2, $0x4  }
0x25: {  	v2 =	vand.u32 $0x7, v2;
	v3 =	vand.u32 $0xFFFFFF80, v3  }
0x26: {  	v2 =	vor.u32 v2, v3  }
0x27: {  	v2 =	vperm.xlane v2, v0;
	_ =	sdelay $0x1  }
0x28: {  	v2 =	vadd.s32 v1, v2;
	_ =	sdelay $0x4  }
0x29: {  	[tilespmem:s19], [sflag:$0x1] =	stream.indirect_vreg.gather [hbm4b:s2+s4], $0x80, v2, vm0, $0xb8;
	[tilespmem:$0x18400] =	vst v63  }
0x2a: {  	s22 =	simm.s32 $0xC00  }
0x2b: {  	[tilespmem:s22], [sflag:$0x1] =	stream.indirect_vreg.gather [hbm4b:s7+s4], $0x80, v2, vm0, $0xb8;
	[tilespmem:$0x18400] =	vst v63  }
0x2c: {  	s25 =	simm.s32 $0x1400  }
0x2d: {  	[tilespmem:s25], [sflag:$0x1] =	stream.indirect_vreg.gather [hbm4b:s8+s4], $0x80, v2, vm0, $0xb8;
	[tilespmem:$0x18400] =	vst v63  }
0x2e: {  	s26 =	simm.s32 $0x1C00  }
0x2f: {  	[tilespmem:s26], [sflag:$0x1] =	stream.indirect_vreg.gather [hbm4b:s9+s4], $0x80, v2, vm0, $0xb8;
	[tilespmem:$0x18400] =	vst v63  }
0x30: {  	s1 =	simm.s32 $0x2400  }
0x31: {  	[tilespmem:s1], [sflag:$0x1] =	stream.indirect_vreg.gather [hbm4b:s10+s4], $0x80, v2, vm0, $0xb8;
	[tilespmem:$0x18400] =	vst v63  }
0x32: {  	s22 =	simm.s32 $0x2C00  }
0x33: {  	[tilespmem:s22], [sflag:$0x1] =	stream.indirect_vreg.gather [hbm4b:s11+s4], $0x80, v2, vm0, $0xb8;
	[tilespmem:$0x18400] =	vst v63  }
0x34: {  	s25 =	simm.s32 $0x3400  }
0x35: {  	[tilespmem:s25], [sflag:$0x1] =	stream.indirect_vreg.gather [hbm4b:s12+s4], $0x80, v2, vm0, $0xb8;
	[tilespmem:$0x18400] =	vst v63  }
0x36: {  	s26 =	simm.s32 $0x3C00  }
0x37: {  	[tilespmem:s26], [sflag:$0x1] =	stream.indirect_vreg.gather [hbm4b:s13+s4], $0x80, v2, vm0, $0xb8;
	[tilespmem:$0x18400] =	vst v63  }
0x38: {  	v2 =	vld.msk [tilespmem:$0x8], $0xff;
	_ =	sdelay $0x4  }
0x39: {  	v3 =	vshll.u32 v2, $0x4  }
0x3a: {  	v2 =	vand.u32 $0x7, v2;
	v3 =	vand.u32 $0xFFFFFF80, v3  }
0x3b: {  	v2 =	vor.u32 v2, v3  }
0x3c: {  	v2 =	vperm.xlane v2, v0;
	_ =	sdelay $0x1  }
0x3d: {  	v2 =	vadd.s32 v1, v2;
	_ =	sdelay $0x4  }
0x3e: {  	[tilespmem:s28], [sflag:$0x1] =	stream.indirect_vreg.gather [hbm4b:s2+s4], $0x80, v2, vm0, $0xb8;
	[tilespmem:$0x18400] =	vst v63  }
0x3f: {  	s1 =	simm.s32 $0x4C00  }
0x40: {  	[tilespmem:s1], [sflag:$0x1] =	stream.indirect_vreg.gather [hbm4b:s7+s4], $0x80, v2, vm0, $0xb8;
	[tilespmem:$0x18400] =	vst v63  }
0x41: {  	s22 =	simm.s32 $0x5400  }
0x42: {  	[tilespmem:s22], [sflag:$0x1] =	stream.indirect_vreg.gather [hbm4b:s8+s4], $0x80, v2, vm0, $0xb8;
	[tilespmem:$0x18400] =	vst v63  }
0x43: {  	s25 =	simm.s32 $0x5C00  }
0x44: {  	[tilespmem:s25], [sflag:$0x1] =	stream.indirect_vreg.gather [hbm4b:s9+s4], $0x80, v2, vm0, $0xb8;
	[tilespmem:$0x18400] =	vst v63  }
0x45: {  	s26 =	simm.s32 $0x6400  }
0x46: {  	[tilespmem:s26], [sflag:$0x1] =	stream.indirect_vreg.gather [hbm4b:s10+s4], $0x80, v2, vm0, $0xb8;
	[tilespmem:$0x18400] =	vst v63  }
0x47: {  	s1 =	simm.s32 $0x6C00  }
0x48: {  	[tilespmem:s1], [sflag:$0x1] =	stream.indirect_vreg.gather [hbm4b:s11+s4], $0x80, v2, vm0, $0xb8;
	[tilespmem:$0x18400] =	vst v63  }
0x49: {  	_ = 	snop  }
0x4a: {  	[tilespmem:s6], [sflag:$0x1] =	stream.indirect_vreg.gather [hbm4b:s12+s4], $0x80, v2, vm0, $0xb8;
	[tilespmem:$0x18400] =	vst v63  }
0x4b: {  	_ = 	snop  }
0x4c: {  	[tilespmem:s15], [sflag:$0x1] =	stream.indirect_vreg.gather [hbm4b:s13+s4], $0x80, v2, vm0, $0xb8;
	[tilespmem:$0x18400] =	vst v63  }
0x4d: {  	v2 =	vld.msk [tilespmem:$0x10], $0xff;
	_ =	sdelay $0x4  }
0x4e: {  	v3 =	vshll.u32 v2, $0x4  }
0x4f: {  	v2 =	vand.u32 $0x7, v2;
	v3 =	vand.u32 $0xFFFFFF80, v3  }
0x50: {  	v2 =	vor.u32 v2, v3  }
0x51: {  	v2 =	vperm.xlane v2, v0;
	_ =	sdelay $0x1  }
0x52: {  	v2 =	vadd.s32 v1, v2;
	_ =	sdelay $0x4  }
0x53: {  	[tilespmem:s18], [sflag:$0x1] =	stream.indirect_vreg.gather [hbm4b:s2+s4], $0x80, v2, vm0, $0xb8;
	[tilespmem:$0x18400] =	vst v63  }
0x54: {  	s22 =	simm.s32 $0x8C00  }
0x55: {  	[tilespmem:s22], [sflag:$0x1] =	stream.indirect_vreg.gather [hbm4b:s7+s4], $0x80, v2, vm0, $0xb8;
	[tilespmem:$0x18400] =	vst v63  }
0x56: {  	s25 =	simm.s32 $0x9400  }
0x57: {  	[tilespmem:s25], [sflag:$0x1] =	stream.indirect_vreg.gather [hbm4b:s8+s4], $0x80, v2, vm0, $0xb8;
	[tilespmem:$0x18400] =	vst v63  }
0x58: {  	s26 =	simm.s32 $0x9C00  }
0x59: {  	[tilespmem:s26], [sflag:$0x1] =	stream.indirect_vreg.gather [hbm4b:s9+s4], $0x80, v2, vm0, $0xb8;
	[tilespmem:$0x18400] =	vst v63  }
0x5a: {  	s1 =	simm.s32 $0xA400  }
0x5b: {  	[tilespmem:s1], [sflag:$0x1] =	stream.indirect_vreg.gather [hbm4b:s10+s4], $0x80, v2, vm0, $0xb8;
	[tilespmem:$0x18400] =	vst v63  }
0x5c: {  	s22 =	simm.s32 $0xAC00  }
0x5d: {  	[tilespmem:s22], [sflag:$0x1] =	stream.indirect_vreg.gather [hbm4b:s11+s4], $0x80, v2, vm0, $0xb8;
	[tilespmem:$0x18400] =	vst v63  }
0x5e: {  	s30 =	simm.s32 $0x28;
	s31 =	simm.s32 $0x0;
	s25 =	simm.s32 $0xB400  }
0x5f: {  	[tilespmem:s25], [sflag:$0x1] =	stream.indirect_vreg.gather [hbm4b:s12+s4], $0x80, v2, vm0, $0xb8;
	[tilespmem:$0x18400] =	vst v63  }
0x60: {  	s26 =	simm.s32 $0xBC00;
	s22 =	simm.s32 $0x0;
	s25 =	simm.s32 $0x4  }
0x61: {  	[tilespmem:s26], [sflag:$0x1] =	stream.indirect_vreg.gather [hbm4b:s13+s4], $0x80, v2, vm0, $0xb8;
	[tilespmem:$0x18400] =	vst v63  }
.LBB2_2:
0x62: {  	s1 =	sadd.s32 $0xFFFFFFF8, s25  }
0x63: {  	p0 =	sgt.u32 s1, $0x7F  }
0x64: {  	s1 =	simm.s32 @!p0 $0x2  }
0x65: {  	_ =	swait.ge @!p0 [sflag:s1], $0x4000  }
0x66: {  	[sflag:s1] =	ssyncset.done @!p0 $0x0  }
0x67: {  	[sflag:s1] =	ssyncadd.s32 @!p0 $0xFFFFC000;
	p0 =	seq.s32 s31, $0x3F000  }
0x68: {  	v2 =	vld.msk @!p0 [tilespmem:s30+$0xFFFFFFF0], $0xff;
	_ =	sdelay $0x4  }
0x69: {  	v3 =	vshll.u32 @!p0 v2, $0x4  }
0x6a: {  	v4 =	vlaneseq.u32 @!p0;
	v2 =	vand.u32 @!p0 $0x7, v2;
	v3 =	vand.u32 @!p0 $0xFFFFFF80, v3  }
0x6b: {  	v2 =	vor.u32 @!p0 v2, v3;
	v3 =	vand.u32 @!p0 $0x7, v4;
	v4 =	vshrl.u32 @!p0 v4, $0x3  }
0x6c: {  	v2 =	vperm.xlane @!p0 v2, v3;
	v3 =	vmul.u32 @!p0 $0x8, v4;
	_ =	sdelay $0x1  }
0x6d: {  	v2 =	vadd.s32 @!p0 v3, v2;
	_ =	sdelay $0x3  }
0x6e: {  	vm1 =	vmmov @!p0 $0xffff;
	s1 =	simm.s32 @!p0 $0x0;
	s26 =	simm.s32 @!p0 $0xC400  }
0x6f: {  	[tilespmem:s26], [sflag:$0x1] =	stream.indirect_vreg.gather @!p0 [hbm4b:s2+s1], $0x80, v2, vm1, $0xb8;
	[tilespmem:$0x18400] =	vst v63  }
0x70: {  	s26 =	simm.s32 @!p0 $0xCC00  }
0x71: {  	[tilespmem:s26], [sflag:$0x1] =	stream.indirect_vreg.gather @!p0 [hbm4b:s7+s1], $0x80, v2, vm1, $0xb8;
	[tilespmem:$0x18400] =	vst v63  }
0x72: {  	s26 =	simm.s32 @!p0 $0xD400  }
0x73: {  	[tilespmem:s26], [sflag:$0x1] =	stream.indirect_vreg.gather @!p0 [hbm4b:s8+s1], $0x80, v2, vm1, $0xb8;
	[tilespmem:$0x18400] =	vst v63  }
0x74: {  	s26 =	simm.s32 @!p0 $0xDC00  }
0x75: {  	[tilespmem:s26], [sflag:$0x1] =	stream.indirect_vreg.gather @!p0 [hbm4b:s9+s1], $0x80, v2, vm1, $0xb8;
	[tilespmem:$0x18400] =	vst v63  }
0x76: {  	s26 =	simm.s32 @!p0 $0xE400  }
0x77: {  	[tilespmem:s26], [sflag:$0x1] =	stream.indirect_vreg.gather @!p0 [hbm4b:s10+s1], $0x80, v2, vm1, $0xb8;
	[tilespmem:$0x18400] =	vst v63  }
0x78: {  	s26 =	simm.s32 @!p0 $0xEC00  }
0x79: {  	[tilespmem:s26], [sflag:$0x1] =	stream.indirect_vreg.gather @!p0 [hbm4b:s11+s1], $0x80, v2, vm1, $0xb8;
	[tilespmem:$0x18400] =	vst v63  }
0x7a: {  	s26 =	simm.s32 @!p0 $0xF400  }
0x7b: {  	[tilespmem:s26], [sflag:$0x1] =	stream.indirect_vreg.gather @!p0 [hbm4b:s12+s1], $0x80, v2, vm1, $0xb8;
	[tilespmem:$0x18400] =	vst v63  }
0x7c: {  	p1 =	seq.s32 s31, $0x0;
	s26 =	simm.s32 @!p0 $0xFC00  }
0x7d: {  	[tilespmem:s26], [sflag:$0x1] =	stream.indirect_vreg.gather @!p0 [hbm4b:s13+s1], $0x80, v2, vm1, $0xb8;
	[tilespmem:$0x18400] =	vst v63  }
0x7e: {  	p2 =	seq.s32 @!p1 s31, $0x3F000;
	_ =	swait.ge [sflag:s3], $0x4000  }
0x7f: {  	p2 =	por p1, !p2;
	s26 =	sadd.s32 s31, s16;
	[sflag:s3] =	ssyncset.done $0x0  }
.Ltmp2:
0x80: {  	s1 =	simm.s32 @!p1 $0x2;
	[sflag:s3] =	ssyncadd.s32 $0xFFFFC000;
	(pc) =	sbr.rel @!p2 .LBB2_4-.Ltmp2, $4  }
0x81: {  	[hbm4b:s26+s4] =	stream.linear.scatter [tilespmem:s19], [sflag:$0x2], $0x4000, $0x38;
	[tilespmem:$0x18400] =	vst v63  }
0x82: {  	_ =	swait.ge @!p1 [sflag:s1], $0x4000  }
0x83: {  	[sflag:s1] =	ssyncset.done @!p1 $0x0  }
0x84: {  	s26 =	smov.u32 s25;
	[sflag:s1] =	ssyncadd.s32 @!p1 $0xFFFFC000  }
0x85: {  	s26 =	smov.u32 s25  }
0x86: {  	s26 =	simm.s32 @p1 $0x4  }
0x87: {  	s1 =	sshll.u32 s26, $0x3  }
0x88: {  	s1 =	sand.u32 $0x3FFFFFF8, s1  }
0x89: {  	v2 =	vld.msk [tilespmem:s1+$0x0], $0xff;
	_ =	sdelay $0x4  }
0x8a: {  	v3 =	vshll.u32 v2, $0x4  }
0x8b: {  	v2 =	vand.u32 $0x7, v2;
	v3 =	vand.u32 $0xFFFFFF80, v3  }
0x8c: {  	v2 =	vor.u32 v2, v3  }
0x8d: {  	v2 =	vperm.xlane v2, v0;
	_ =	sdelay $0x1  }
0x8e: {  	v2 =	vadd.s32 v1, v2;
	_ =	sdelay $0x4  }
0x8f: {  	[tilespmem:s29], [sflag:$0x1] =	stream.indirect_vreg.gather [hbm4b:s2+s4], $0x80, v2, vm0, $0xb8;
	[tilespmem:$0x18400] =	vst v63  }
0x90: {  	s0 =	simm.s32 $0x10C00  }
0x91: {  	[tilespmem:s0], [sflag:$0x1] =	stream.indirect_vreg.gather [hbm4b:s7+s4], $0x80, v2, vm0, $0xb8;
	[tilespmem:$0x18400] =	vst v63  }
0x92: {  	s1 =	simm.s32 $0x11400  }
0x93: {  	[tilespmem:s1], [sflag:$0x1] =	stream.indirect_vreg.gather [hbm4b:s8+s4], $0x80, v2, vm0, $0xb8;
	[tilespmem:$0x18400] =	vst v63  }
0x94: {  	s1 =	simm.s32 $0x11C00  }
0x95: {  	[tilespmem:s1], [sflag:$0x1] =	stream.indirect_vreg.gather [hbm4b:s9+s4], $0x80, v2, vm0, $0xb8;
	[tilespmem:$0x18400] =	vst v63  }
0x96: {  	s1 =	simm.s32 $0x12400  }
0x97: {  	[tilespmem:s1], [sflag:$0x1] =	stream.indirect_vreg.gather [hbm4b:s10+s4], $0x80, v2, vm0, $0xb8;
	[tilespmem:$0x18400] =	vst v63  }
0x98: {  	s1 =	simm.s32 $0x12C00  }
0x99: {  	[tilespmem:s1], [sflag:$0x1] =	stream.indirect_vreg.gather [hbm4b:s11+s4], $0x80, v2, vm0, $0xb8;
	[tilespmem:$0x18400] =	vst v63  }
0x9a: {  	s1 =	simm.s32 $0x13400  }
0x9b: {  	[tilespmem:s1], [sflag:$0x1] =	stream.indirect_vreg.gather [hbm4b:s12+s4], $0x80, v2, vm0, $0xb8;
	[tilespmem:$0x18400] =	vst v63  }
0x9c: {  	s1 =	simm.s32 $0x13C00  }
0x9d: {  	[tilespmem:s1], [sflag:$0x1] =	stream.indirect_vreg.gather [hbm4b:s13+s4], $0x80, v2, vm0, $0xb8;
	[tilespmem:$0x18400] =	vst v63  }
.LBB2_4:
0x9e: {  	_ =	swait.ge [sflag:s3], $0x4000  }
0x9f: {  	s1 =	sadd.s32 s31, s14;
	[sflag:s3] =	ssyncset.done $0x0  }
0xa0: {  	s0 =	sadd.s32 $0x800, s1;
	[sflag:s3] =	ssyncadd.s32 $0xFFFFC000  }
0xa1: {  	[hbm4b:s0+s4] =	stream.linear.scatter [tilespmem:s28], [sflag:$0x2], $0x4000, $0x38;
	[tilespmem:$0x18400] =	vst v63  }
0xa2: {  	s0 =	sadd.s32 $0xFFFFFFFA, s25  }
.Ltmp3:
0xa3: {  	p1 =	sgt.u32 s0, $0x7F;
	(pc) =	sbr.rel @p0 .LBB2_8-.Ltmp3, $4  }
0xa4: {  	s0 =	simm.s32 @!p1 $0x2  }
0xa5: {  	_ =	swait.ge @!p1 [sflag:s0], $0x4000  }
0xa6: {  	[sflag:s0] =	ssyncset.done @!p1 $0x0  }
0xa7: {  	[sflag:s0] =	ssyncadd.s32 @!p1 $0xFFFFC000  }
0xa8: {  	v2 =	vld.msk [tilespmem:s30+$0x0], $0xff;
	_ =	sdelay $0x4  }
0xa9: {  	v3 =	vshll.u32 v2, $0x4  }
0xaa: {  	v2 =	vand.u32 $0x7, v2;
	v3 =	vand.u32 $0xFFFFFF80, v3  }
0xab: {  	v2 =	vor.u32 v2, v3  }
0xac: {  	v2 =	vperm.xlane v2, v0;
	_ =	sdelay $0x1  }
0xad: {  	v2 =	vadd.s32 v1, v2;
	_ =	sdelay $0x4  }
0xae: {  	[tilespmem:s21], [sflag:$0x1] =	stream.indirect_vreg.gather [hbm4b:s2+s4], $0x80, v2, vm0, $0xb8;
	[tilespmem:$0x18400] =	vst v63  }
0xaf: {  	s0 =	simm.s32 $0x14C00  }
0xb0: {  	[tilespmem:s0], [sflag:$0x1] =	stream.indirect_vreg.gather [hbm4b:s7+s4], $0x80, v2, vm0, $0xb8;
	[tilespmem:$0x18400] =	vst v63  }
0xb1: {  	s0 =	simm.s32 $0x15400  }
0xb2: {  	[tilespmem:s0], [sflag:$0x1] =	stream.indirect_vreg.gather [hbm4b:s8+s4], $0x80, v2, vm0, $0xb8;
	[tilespmem:$0x18400] =	vst v63  }
0xb3: {  	s0 =	simm.s32 $0x15C00  }
0xb4: {  	[tilespmem:s0], [sflag:$0x1] =	stream.indirect_vreg.gather [hbm4b:s9+s4], $0x80, v2, vm0, $0xb8;
	[tilespmem:$0x18400] =	vst v63  }
0xb5: {  	s0 =	simm.s32 $0x16400  }
0xb6: {  	[tilespmem:s0], [sflag:$0x1] =	stream.indirect_vreg.gather [hbm4b:s10+s4], $0x80, v2, vm0, $0xb8;
	[tilespmem:$0x18400] =	vst v63  }
0xb7: {  	s0 =	simm.s32 $0x16C00  }
0xb8: {  	[tilespmem:s0], [sflag:$0x1] =	stream.indirect_vreg.gather [hbm4b:s11+s4], $0x80, v2, vm0, $0xb8;
	[tilespmem:$0x18400] =	vst v63  }
0xb9: {  	s0 =	simm.s32 $0x17400  }
0xba: {  	[tilespmem:s0], [sflag:$0x1] =	stream.indirect_vreg.gather [hbm4b:s12+s4], $0x80, v2, vm0, $0xb8;
	[tilespmem:$0x18400] =	vst v63  }
0xbb: {  	_ = 	snop  }
0xbc: {  	[tilespmem:s23], [sflag:$0x1] =	stream.indirect_vreg.gather [hbm4b:s13+s4], $0x80, v2, vm0, $0xb8;
	[tilespmem:$0x18400] =	vst v63  }
0xbd: {  	_ =	swait.ge [sflag:s3], $0x4000  }
0xbe: {  	[sflag:s3] =	ssyncset.done $0x0  }
0xbf: {  	s0 =	sadd.s32 s31, s17;
	[sflag:s3] =	ssyncadd.s32 $0xFFFFC000  }
0xc0: {  	[hbm4b:s0+s4] =	stream.linear.scatter [tilespmem:s18], [sflag:$0x2], $0x4000, $0x38;
	[tilespmem:$0x18400] =	vst v63  }
0xc1: {  	_ =	swait.ge [sflag:s20], $0x4000  }
0xc2: {  	[sflag:s20] =	ssyncset.done $0x0  }
0xc3: {  	[sflag:s20] =	ssyncadd.s32 $0xFFFFC000  }
0xc4: {  	v2 =	vld.msk [tilespmem:s30+$0x8], $0xff;
	_ =	sdelay $0x4  }
0xc5: {  	v3 =	vshll.u32 v2, $0x4  }
0xc6: {  	v2 =	vand.u32 $0x7, v2;
	v3 =	vand.u32 $0xFFFFFF80, v3  }
0xc7: {  	v2 =	vor.u32 v2, v3  }
0xc8: {  	v2 =	vperm.xlane v2, v0;
	_ =	sdelay $0x1  }
0xc9: {  	v2 =	vadd.s32 v1, v2;
	_ =	sdelay $0x4  }
0xca: {  	[tilespmem:s19], [sflag:$0x1] =	stream.indirect_vreg.gather [hbm4b:s2+s4], $0x80, v2, vm0, $0xb8;
	[tilespmem:$0x18400] =	vst v63  }
0xcb: {  	s0 =	simm.s32 $0xC00  }
0xcc: {  	[tilespmem:s0], [sflag:$0x1] =	stream.indirect_vreg.gather [hbm4b:s7+s4], $0x80, v2, vm0, $0xb8;
	[tilespmem:$0x18400] =	vst v63  }
0xcd: {  	s0 =	simm.s32 $0x1400  }
0xce: {  	[tilespmem:s0], [sflag:$0x1] =	stream.indirect_vreg.gather [hbm4b:s8+s4], $0x80, v2, vm0, $0xb8;
	[tilespmem:$0x18400] =	vst v63  }
0xcf: {  	s0 =	simm.s32 $0x1C00  }
0xd0: {  	[tilespmem:s0], [sflag:$0x1] =	stream.indirect_vreg.gather [hbm4b:s9+s4], $0x80, v2, vm0, $0xb8;
	[tilespmem:$0x18400] =	vst v63  }
0xd1: {  	s0 =	simm.s32 $0x2400  }
0xd2: {  	[tilespmem:s0], [sflag:$0x1] =	stream.indirect_vreg.gather [hbm4b:s10+s4], $0x80, v2, vm0, $0xb8;
	[tilespmem:$0x18400] =	vst v63  }
0xd3: {  	s0 =	simm.s32 $0x2C00  }
0xd4: {  	[tilespmem:s0], [sflag:$0x1] =	stream.indirect_vreg.gather [hbm4b:s11+s4], $0x80, v2, vm0, $0xb8;
	[tilespmem:$0x18400] =	vst v63  }
0xd5: {  	s0 =	simm.s32 $0x3400  }
0xd6: {  	[tilespmem:s0], [sflag:$0x1] =	stream.indirect_vreg.gather [hbm4b:s12+s4], $0x80, v2, vm0, $0xb8;
	[tilespmem:$0x18400] =	vst v63  }
0xd7: {  	s0 =	simm.s32 $0x3C00  }
0xd8: {  	[tilespmem:s0], [sflag:$0x1] =	stream.indirect_vreg.gather [hbm4b:s13+s4], $0x80, v2, vm0, $0xb8;
	[tilespmem:$0x18400] =	vst v63  }
0xd9: {  	_ =	swait.ge [sflag:s3], $0x4000  }
0xda: {  	[sflag:s3] =	ssyncset.done $0x0  }
0xdb: {  	s0 =	sadd.s32 $0x1800, s1;
	[sflag:s3] =	ssyncadd.s32 $0xFFFFC000  }
0xdc: {  	[hbm4b:s0+s4] =	stream.linear.scatter [tilespmem:s24], [sflag:$0x2], $0x4000, $0x38;
	[tilespmem:$0x18400] =	vst v63  }
0xdd: {  	_ =	swait.ge [sflag:s20], $0x4000  }
0xde: {  	[sflag:s20] =	ssyncset.done $0x0  }
0xdf: {  	[sflag:s20] =	ssyncadd.s32 $0xFFFFC000  }
0xe0: {  	v2 =	vld.msk [tilespmem:s30+$0x10], $0xff;
	_ =	sdelay $0x4  }
0xe1: {  	v3 =	vshll.u32 v2, $0x4  }
0xe2: {  	v2 =	vand.u32 $0x7, v2;
	v3 =	vand.u32 $0xFFFFFF80, v3  }
0xe3: {  	v2 =	vor.u32 v2, v3  }
0xe4: {  	v2 =	vperm.xlane v2, v0;
	_ =	sdelay $0x1  }
0xe5: {  	v2 =	vadd.s32 v1, v2;
	_ =	sdelay $0x4  }
0xe6: {  	[tilespmem:s28], [sflag:$0x1] =	stream.indirect_vreg.gather [hbm4b:s2+s4], $0x80, v2, vm0, $0xb8;
	[tilespmem:$0x18400] =	vst v63  }
0xe7: {  	s0 =	simm.s32 $0x4C00  }
0xe8: {  	[tilespmem:s0], [sflag:$0x1] =	stream.indirect_vreg.gather [hbm4b:s7+s4], $0x80, v2, vm0, $0xb8;
	[tilespmem:$0x18400] =	vst v63  }
0xe9: {  	s0 =	simm.s32 $0x5400  }
0xea: {  	[tilespmem:s0], [sflag:$0x1] =	stream.indirect_vreg.gather [hbm4b:s8+s4], $0x80, v2, vm0, $0xb8;
	[tilespmem:$0x18400] =	vst v63  }
0xeb: {  	s0 =	simm.s32 $0x5C00  }
0xec: {  	[tilespmem:s0], [sflag:$0x1] =	stream.indirect_vreg.gather [hbm4b:s9+s4], $0x80, v2, vm0, $0xb8;
	[tilespmem:$0x18400] =	vst v63  }
0xed: {  	s0 =	simm.s32 $0x6400  }
0xee: {  	[tilespmem:s0], [sflag:$0x1] =	stream.indirect_vreg.gather [hbm4b:s10+s4], $0x80, v2, vm0, $0xb8;
	[tilespmem:$0x18400] =	vst v63  }
0xef: {  	s0 =	simm.s32 $0x6C00  }
0xf0: {  	[tilespmem:s0], [sflag:$0x1] =	stream.indirect_vreg.gather [hbm4b:s11+s4], $0x80, v2, vm0, $0xb8;
	[tilespmem:$0x18400] =	vst v63  }
0xf1: {  	_ = 	snop  }
0xf2: {  	[tilespmem:s6], [sflag:$0x1] =	stream.indirect_vreg.gather [hbm4b:s12+s4], $0x80, v2, vm0, $0xb8;
	[tilespmem:$0x18400] =	vst v63  }
0xf3: {  	_ = 	snop  }
0xf4: {  	[tilespmem:s15], [sflag:$0x1] =	stream.indirect_vreg.gather [hbm4b:s13+s4], $0x80, v2, vm0, $0xb8;
	[tilespmem:$0x18400] =	vst v63  }
0xf5: {  	_ =	swait.ge [sflag:s3], $0x4000  }
0xf6: {  	s26 =	sadd.s32 s5, s26;
	[sflag:s3] =	ssyncset.done $0x0  }
0xf7: {  	s0 =	sshll.u32 s26, $0xB;
	[sflag:s3] =	ssyncadd.s32 $0xFFFFC000  }
0xf8: {  	s0 =	sand.u32 $0x1FFFF000, s0;
	s26 =	rddreg [dreg:$0x2]  }
0xf9: {  	s0 =	sadd.s32 s26, s0  }
0xfa: {  	[hbm4b:s0+s4] =	stream.linear.scatter [tilespmem:s29], [sflag:$0x2], $0x4000, $0x38;
	[tilespmem:$0x18400] =	vst v63  }
0xfb: {  	_ =	swait.ge [sflag:s20], $0x4000  }
0xfc: {  	[sflag:s20] =	ssyncset.done $0x0  }
0xfd: {  	p0 =	sgt.u32 s22, $0x13;
	[sflag:s20] =	ssyncadd.s32 $0xFFFFC000  }
0xfe: {  	v2 =	vld.msk @!p0 [tilespmem:s30+$0x18], $0xff;
	_ =	sdelay $0x4  }
0xff: {  	v3 =	vshll.u32 @!p0 v2, $0x4  }
0x100: {  	v4 =	vlaneseq.u32 @!p0;
	v2 =	vand.u32 @!p0 $0x7, v2;
	v3 =	vand.u32 @!p0 $0xFFFFFF80, v3  }
0x101: {  	v2 =	vor.u32 @!p0 v2, v3;
	v3 =	vand.u32 @!p0 $0x7, v4;
	v4 =	vshrl.u32 @!p0 v4, $0x3  }
0x102: {  	v2 =	vperm.xlane @!p0 v2, v3;
	v3 =	vmul.u32 @!p0 $0x8, v4;
	_ =	sdelay $0x1  }
0x103: {  	v2 =	vadd.s32 @!p0 v3, v2;
	_ =	sdelay $0x3  }
0x104: {  	vm1 =	vmmov @!p0 $0xffff;
	s26 =	simm.s32 @!p0 $0x8400;
	s0 =	simm.s32 @!p0 $0x0  }
0x105: {  	[tilespmem:s26], [sflag:$0x1] =	stream.indirect_vreg.gather @!p0 [hbm4b:s2+s0], $0x80, v2, vm1, $0xb8;
	[tilespmem:$0x18400] =	vst v63  }
0x106: {  	s26 =	simm.s32 @!p0 $0x8C00  }
0x107: {  	[tilespmem:s26], [sflag:$0x1] =	stream.indirect_vreg.gather @!p0 [hbm4b:s7+s0], $0x80, v2, vm1, $0xb8;
	[tilespmem:$0x18400] =	vst v63  }
0x108: {  	s26 =	simm.s32 @!p0 $0x9400  }
0x109: {  	[tilespmem:s26], [sflag:$0x1] =	stream.indirect_vreg.gather @!p0 [hbm4b:s8+s0], $0x80, v2, vm1, $0xb8;
	[tilespmem:$0x18400] =	vst v63  }
0x10a: {  	s26 =	simm.s32 @!p0 $0x9C00  }
0x10b: {  	[tilespmem:s26], [sflag:$0x1] =	stream.indirect_vreg.gather @!p0 [hbm4b:s9+s0], $0x80, v2, vm1, $0xb8;
	[tilespmem:$0x18400] =	vst v63  }
0x10c: {  	s26 =	simm.s32 @!p0 $0xA400  }
0x10d: {  	[tilespmem:s26], [sflag:$0x1] =	stream.indirect_vreg.gather @!p0 [hbm4b:s10+s0], $0x80, v2, vm1, $0xb8;
	[tilespmem:$0x18400] =	vst v63  }
0x10e: {  	s26 =	simm.s32 @!p0 $0xAC00  }
0x10f: {  	[tilespmem:s26], [sflag:$0x1] =	stream.indirect_vreg.gather @!p0 [hbm4b:s11+s0], $0x80, v2, vm1, $0xb8;
	[tilespmem:$0x18400] =	vst v63  }
0x110: {  	s26 =	simm.s32 @!p0 $0xB400  }
0x111: {  	[tilespmem:s26], [sflag:$0x1] =	stream.indirect_vreg.gather @!p0 [hbm4b:s12+s0], $0x80, v2, vm1, $0xb8;
	[tilespmem:$0x18400] =	vst v63  }
0x112: {  	s31 =	sadd.s32 $0x3000, s31;
	s26 =	simm.s32 @!p0 $0xBC00  }
0x113: {  	[tilespmem:s26], [sflag:$0x1] =	stream.indirect_vreg.gather @!p0 [hbm4b:s13+s0], $0x80, v2, vm1, $0xb8;
	[tilespmem:$0x18400] =	vst v63  }
0x114: {  	p0 =	sne.s32 s31, $0x42000  }
.Ltmp4:
0x115: {  	_ = 	snop;
	(pc) =	sbr.rel @p0 .LBB2_2-.Ltmp4, $4  }
.Ltmp5:
0x116: {  	_ =	swait.ge [sflag:s3], $0x4000;
	(pc) =	sbr.rel @!p0 .LBB2_6-.Ltmp5, $4  }
0x117: {  	s22 =	sadd.s32 $0x1, s22;
	s25 =	sadd.s32 $0x6, s25;
	[sflag:s3] =	ssyncset.done $0x0  }
0x118: {  	s30 =	sadd.s32 $0x30, s30;
	s26 =	sadd.s32 $0x2800, s1;
	[sflag:s3] =	ssyncadd.s32 $0xFFFFC000  }
0x119: {  	[hbm4b:s26+s4] =	stream.linear.scatter [tilespmem:s21], [sflag:$0x2], $0x4000, $0x38;
	[tilespmem:$0x18400] =	vst v63  }
0x11a: {  	_ = 	snop  }
.LBB2_7:
0x11b: {  	_ =	sfence.sel $0x180000  }
0x11c: {  	[bflag:$0x0] =	sbarrier.arrive $0xFFFF  }
0x11d: {  	_ =	strace $0x90000047  }
0x11e: {  	s0 =	stileid.u32;
	[bflag:$0x2] =	sbarrier.arrive $0xFFFF  }
0x11f: {  	p0 =	sne.s32 s0, $0x0;
	s0 =	rddreg [dreg:$0x3]  }
0x120: {  	s0 =	sadd.s32 @!p0 $0x100000, s0  }
0x121: {  	[sflag:s0] =	ssyncadd.tile.s32 @!p0 $0x1;
	_ =	shalt  }
.Lfunc_end2:
_tile_overlayer_lowered:
.L_overlay_start_2:
0x122: {  	(tag) =	ssettag $0x2  }
0x123: {  	s0 =	rddreg [dreg:$0x0];
	s2 =	stileid.u32  }
0x124: {  	s1 =	rddreg [dreg:$0x1];
	p0 =	sne.s32 s2, $0x0  }
0x125: {  	s3 =	rddreg [dreg:$0x2];
	[bflag:$0x3] =	sbarrier.arrive $0xFFFF;
	s2 =	simm.s32 @!p0 $0x1C03  }
0x126: {  	[timem:s3], [sflag:s2] =	dma.local @!p0 [hbm:s0], s1  }
0x127: {  	s0 =	simm.s32 @!p0 $0x3  }
0x128: {  	_ =	swait.ge @!p0 [sflag:s0], s1  }
0x129: {  	s1 =	ssub.s32 @!p0 $0x0, s1;
	[sflag:s0] =	ssyncset.done @!p0 $0x0  }
0x12a: {  	[sflag:s0] =	ssyncadd.s32 @!p0 s1  }
0x12b: {  	[bflag:$0x3] =	sbarrier.arrive $0xFFFF  }
0x12c: {  	_ =	shalt  }

</sc_bundles>
